<compile_context>
chip_gen: v7x
topology: tpu7x:2x2x1
jax: 0.10.2.dev20260603
libtpu: 0.0.44.dev20260713+nightly
codegen_flags: <defaults>
</compile_context>

<pallas_src>
import jax
import jax.numpy as jnp
from jax import lax
from jax.experimental import pallas as pl
from jax.experimental.pallas import tpu as pltpu
from jax.experimental.pallas import tpu_sc as plsc

N_NODES = 10000
N_EDGES = 320000
D = 128
NW = 32
E_PER_W = N_EDGES // NW
CHUNK = 80
N_CHUNKS = E_PER_W // CHUNK
NBUF = 4
MAIN = 120


def _edge_attn_body(node_hbm, src_hbm, dst_hbm, out_hbm,
                    idx_s, idx_d,
                    rs0, rd0, rs1, rd1, rs2, rd2, rs3, rd3,
                    ss0, sd0, ss1, sd1, ss2, sd2, ss3, sd3,
                    so0, so1, so2, so3):
    wid = lax.axis_index("s") * 2 + lax.axis_index("c")
    w_base = wid * E_PER_W

    rows_s = (rs0, rs1, rs2, rs3)
    rows_d = (rd0, rd1, rd2, rd3)
    sem_s = (ss0, ss1, ss2, ss3)
    sem_d = (sd0, sd1, sd2, sd3)
    sem_o = (so0, so1, so2, so3)

    pltpu.sync_copy(src_hbm.at[pl.ds(w_base, E_PER_W)], idx_s)
    pltpu.sync_copy(dst_hbm.at[pl.ds(w_base, E_PER_W)], idx_d)

    def fire_gather(g, b):
        pltpu.async_copy(node_hbm.at[idx_s.at[pl.ds(g * CHUNK, CHUNK)]],
                         rows_s[b], sem_s[b])
        pltpu.async_copy(node_hbm.at[idx_d.at[pl.ds(g * CHUNK, CHUNK)]],
                         rows_d[b], sem_d[b])

    def drain_gather(b):
        dummy = out_hbm.at[pl.ds(0, CHUNK)]
        pltpu.make_async_copy(dummy, rows_s[b], sem_s[b]).wait()
        pltpu.make_async_copy(dummy, rows_d[b], sem_d[b]).wait()

    def fire_out(g, b):
        pltpu.async_copy(rows_s[b], out_hbm.at[pl.ds(w_base + g * CHUNK, CHUNK)],
                         sem_o[b])

    def drain_out(b):
        dummy = out_hbm.at[pl.ds(0, CHUNK)]
        pltpu.make_async_copy(dummy, rows_s[b], sem_o[b]).wait()

    def mult(b):
        def mul_body(i, _):
            for j in range(D // 16):
                sl = (i, pl.ds(j * 16, 16))
                rows_s[b][sl] = rows_s[b][sl] * rows_d[b][sl]
            return 0

        lax.fori_loop(0, CHUNK, mul_body, 0)

    fire_gather(0, 0)
    fire_gather(1, 1)
    fire_gather(2, 2)

    def steady(g2, _):
        for k in range(NBUF):
            g = g2 * NBUF + k
            drain_gather(k)
            mult(k)
            fire_out(g, k)
            b2 = (k + 3) % NBUF
            if k == 0:
                @pl.when(g2 >= 1)
                def _():
                    drain_out(b2)
            else:
                drain_out(b2)
            fire_gather(g + 3, b2)
        return 0

    lax.fori_loop(0, MAIN // NBUF, steady, 0)

    for g in range(MAIN, N_CHUNKS):
        b = g % NBUF
        drain_gather(b)
        mult(b)
        fire_out(g, b)
        drain_out((g + 3) % NBUF)
        if g + 3 < N_CHUNKS:
            fire_gather(g + 3, (g + 3) % NBUF)
    drain_out((N_CHUNKS - 1) % NBUF)


@jax.jit
def _edge_attn(node_attn, src, dst):
    mesh = plsc.VectorSubcoreMesh(core_axis_name="c", subcore_axis_name="s")
    return pl.kernel(
        _edge_attn_body,
        mesh=mesh,
        out_type=jax.ShapeDtypeStruct((N_EDGES, D), jnp.float32),
        scratch_types=[
            pltpu.VMEM((E_PER_W,), jnp.int32),
            pltpu.VMEM((E_PER_W,), jnp.int32),
        ] + [pltpu.VMEM((CHUNK, D), jnp.float32)] * 8
          + [pltpu.SemaphoreType.DMA] * 12,
    )(node_attn, src, dst)


def kernel(node_attn, edge_index):
    src = edge_index[0].astype(jnp.int32)
    dst = edge_index[1].astype(jnp.int32)
    return _edge_attn(node_attn, src, dst)

# --- scband reference (transcript-rebuilt; emitter-appended) ---
"""Pipeline reference for scband-test-8718783611572 (READ-ONLY COPY).

The authoritative reference and input builder live on the scoring server;
editing this copy changes nothing except your own understanding.
"""

import jax, jax.numpy as jnp
import numpy as np


def setup_inputs(seed: int = 0) -> dict:
    key = jax.random.key(seed)
    k1, k2 = jax.random.split(key)
    n_nodes = 10000
    n_edges = 320000
    d_feat = 128
    node_attn = jax.random.normal(k1, (n_nodes, d_feat), dtype=jnp.float32)
    edge_index = jax.random.randint(k2, (2, n_edges), 0, n_nodes, dtype=jnp.int64)
    return {"node_attn": node_attn, "edge_index": edge_index}


def reference(node_attn, edge_index):
    # Faithful translation of Test.node_attn_to_edge_attn:
    #   src_attn = node_attn[edge_index[0]]
    #   dst_attn = node_attn[edge_index[1]]
    #   edge_attn = src_attn * dst_attn
    src_attn = jnp.take(node_attn, edge_index[0], axis=0)
    dst_attn = jnp.take(node_attn, edge_index[1], axis=0)
    edge_attn = src_attn * dst_attn
    return edge_attn

if __name__ == "__main__":
    import jax
    _d = setup_inputs()
    print(jax.jit(kernel)(*tuple(_d.values())))

</pallas_src>

<mosaic_0001>
#map = affine_map<(d0, d1) -> (0, 0)>
#map1 = affine_map<(d0, d1) -> (0)>
module attributes {stable_mosaic.version = 14 : i64} {
  func.func @_edge_attn_body(%arg0: i32, %arg1: i32, %arg2: memref<10000x128xf32, #tpu.memory_space<hbm>>, %arg3: memref<320000xi32, #tpu.memory_space<hbm>>, %arg4: memref<320000xi32, #tpu.memory_space<hbm>>, %arg5: memref<320000x128xf32, #tpu.memory_space<hbm>>, %arg6: memref<10000xi32, #tpu.memory_space<vmem>>, %arg7: memref<10000xi32, #tpu.memory_space<vmem>>, %arg8: memref<80x128xf32, #tpu.memory_space<vmem>>, %arg9: memref<80x128xf32, #tpu.memory_space<vmem>>, %arg10: memref<80x128xf32, #tpu.memory_space<vmem>>, %arg11: memref<80x128xf32, #tpu.memory_space<vmem>>, %arg12: memref<80x128xf32, #tpu.memory_space<vmem>>, %arg13: memref<80x128xf32, #tpu.memory_space<vmem>>, %arg14: memref<80x128xf32, #tpu.memory_space<vmem>>, %arg15: memref<80x128xf32, #tpu.memory_space<vmem>>, %arg16: memref<!tpu.dma_semaphore, #tpu.memory_space<semaphore_mem>>, %arg17: memref<!tpu.dma_semaphore, #tpu.memory_space<semaphore_mem>>, %arg18: memref<!tpu.dma_semaphore, #tpu.memory_space<semaphore_mem>>, %arg19: memref<!tpu.dma_semaphore, #tpu.memory_space<semaphore_mem>>, %arg20: memref<!tpu.dma_semaphore, #tpu.memory_space<semaphore_mem>>, %arg21: memref<!tpu.dma_semaphore, #tpu.memory_space<semaphore_mem>>, %arg22: memref<!tpu.dma_semaphore, #tpu.memory_space<semaphore_mem>>, %arg23: memref<!tpu.dma_semaphore, #tpu.memory_space<semaphore_mem>>, %arg24: memref<!tpu.dma_semaphore, #tpu.memory_space<semaphore_mem>>, %arg25: memref<!tpu.dma_semaphore, #tpu.memory_space<semaphore_mem>>, %arg26: memref<!tpu.dma_semaphore, #tpu.memory_space<semaphore_mem>>, %arg27: memref<!tpu.dma_semaphore, #tpu.memory_space<semaphore_mem>>) attributes {dimension_semantics = [#tpu.dimension_semantics<core_parallel>, #tpu.dimension_semantics<subcore_parallel>], iteration_bounds = array<i64: 2, 16>, scalar_prefetch = 0 : i64, scratch_operands = 22 : i64, tpu.core_type = #tpu.core_type<sc_vector_subcore>, window_params = [{transform_indices = #map}, {transform_indices = #map1}, {transform_indices = #map1}, {transform_indices = #map}]} {
    %mul3A = arith.constant 2 : i32
    %mul3A_0 = arith.muli %arg1, %mul3A : i32
    %add3A = arith.addi %mul3A_0, %arg0 : i32
    %mul3A_1 = arith.constant 10000 : i32
    %mul3A_2 = arith.muli %add3A, %mul3A_1 : i32
    "tpu.region"() ({
      %run_scoped3A = tpu.sem_alloc : memref<!tpu.dma_semaphore, #tpu.memory_space<semaphore_mem>>
      %dma_start3A_218 = tpu.memref_slice %arg3[%mul3A_2] : memref<320000xi32, #tpu.memory_space<hbm>> -> memref<10000xi32, #tpu.memory_space<hbm>>
      %dma_start3A_219 = tpu.memref_slice %arg3[%mul3A_2] : memref<320000xi32, #tpu.memory_space<hbm>> -> memref<10000xi32, #tpu.memory_space<hbm>>
      tpu.enqueue_dma source(%dma_start3A_219 : memref<10000xi32, #tpu.memory_space<hbm>>) target(%arg6 : memref<10000xi32, #tpu.memory_space<vmem>>) target_semaphore(%run_scoped3A : memref<!tpu.dma_semaphore, #tpu.memory_space<semaphore_mem>>)
      %dma_wait3A_220 = tpu.memref_slice %arg3[%mul3A_2] : memref<320000xi32, #tpu.memory_space<hbm>> -> memref<10000xi32, #tpu.memory_space<hbm>>
      %dma_wait3A_221 = tpu.memref_slice %arg3[%mul3A_2] : memref<320000xi32, #tpu.memory_space<hbm>> -> memref<10000xi32, #tpu.memory_space<hbm>>
      tpu.wait_dma2 semaphore(%run_scoped3A : memref<!tpu.dma_semaphore, #tpu.memory_space<semaphore_mem>>) src(%dma_wait3A_221 : memref<10000xi32, #tpu.memory_space<hbm>>) dst(%arg6 : memref<10000xi32, #tpu.memory_space<vmem>>)
      tpu.yield
    }) : () -> ()
    "tpu.region"() ({
      %run_scoped3A = tpu.sem_alloc : memref<!tpu.dma_semaphore, #tpu.memory_space<semaphore_mem>>
      %dma_start3A_218 = tpu.memref_slice %arg4[%mul3A_2] : memref<320000xi32, #tpu.memory_space<hbm>> -> memref<10000xi32, #tpu.memory_space<hbm>>
      %dma_start3A_219 = tpu.memref_slice %arg4[%mul3A_2] : memref<320000xi32, #tpu.memory_space<hbm>> -> memref<10000xi32, #tpu.memory_space<hbm>>
      tpu.enqueue_dma source(%dma_start3A_219 : memref<10000xi32, #tpu.memory_space<hbm>>) target(%arg7 : memref<10000xi32, #tpu.memory_space<vmem>>) target_semaphore(%run_scoped3A : memref<!tpu.dma_semaphore, #tpu.memory_space<semaphore_mem>>)
      %dma_wait3A_220 = tpu.memref_slice %arg4[%mul3A_2] : memref<320000xi32, #tpu.memory_space<hbm>> -> memref<10000xi32, #tpu.memory_space<hbm>>
      %dma_wait3A_221 = tpu.memref_slice %arg4[%mul3A_2] : memref<320000xi32, #tpu.memory_space<hbm>> -> memref<10000xi32, #tpu.memory_space<hbm>>
      tpu.wait_dma2 semaphore(%run_scoped3A : memref<!tpu.dma_semaphore, #tpu.memory_space<semaphore_mem>>) src(%dma_wait3A_221 : memref<10000xi32, #tpu.memory_space<hbm>>) dst(%arg7 : memref<10000xi32, #tpu.memory_space<vmem>>)
      tpu.yield
    }) : () -> ()
    %dma_start3A = arith.constant 0 : i32
    %dma_start3A_3 = tpu.memref_slice %arg6[%dma_start3A] : memref<10000xi32, #tpu.memory_space<vmem>> -> memref<80xi32, #tpu.memory_space<vmem>>
    %dma_start3A_4 = arith.constant 0 : i32
    %dma_start3A_5 = arith.constant 0 : i32
    %dma_start3A_6 = tpu.memref_slice %arg2[%dma_start3A_4, %dma_start3A_5] : memref<10000x128xf32, #tpu.memory_space<hbm>> -> memref<10000x128xf32, #tpu.memory_space<hbm>>
    tpu.enqueue_indirect_dma source(%dma_start3A_6 : memref<10000x128xf32, #tpu.memory_space<hbm>>) target(%arg8 : memref<80x128xf32, #tpu.memory_space<vmem>>) offsets(%dma_start3A_3 : memref<80xi32, #tpu.memory_space<vmem>>) semaphore(%arg16 : memref<!tpu.dma_semaphore, #tpu.memory_space<semaphore_mem>>)
    %dma_start3A_7 = arith.constant 0 : i32
    %dma_start3A_8 = tpu.memref_slice %arg7[%dma_start3A_7] : memref<10000xi32, #tpu.memory_space<vmem>> -> memref<80xi32, #tpu.memory_space<vmem>>
    %dma_start3A_9 = arith.constant 0 : i32
    %dma_start3A_10 = arith.constant 0 : i32
    %dma_start3A_11 = tpu.memref_slice %arg2[%dma_start3A_9, %dma_start3A_10] : memref<10000x128xf32, #tpu.memory_space<hbm>> -> memref<10000x128xf32, #tpu.memory_space<hbm>>
    tpu.enqueue_indirect_dma source(%dma_start3A_11 : memref<10000x128xf32, #tpu.memory_space<hbm>>) target(%arg9 : memref<80x128xf32, #tpu.memory_space<vmem>>) offsets(%dma_start3A_8 : memref<80xi32, #tpu.memory_space<vmem>>) semaphore(%arg17 : memref<!tpu.dma_semaphore, #tpu.memory_space<semaphore_mem>>)
    %dma_start3A_12 = arith.constant 80 : i32
    %dma_start3A_13 = tpu.memref_slice %arg6[%dma_start3A_12] : memref<10000xi32, #tpu.memory_space<vmem>> -> memref<80xi32, #tpu.memory_space<vmem>>
    %dma_start3A_14 = arith.constant 0 : i32
    %dma_start3A_15 = arith.constant 0 : i32
    %dma_start3A_16 = tpu.memref_slice %arg2[%dma_start3A_14, %dma_start3A_15] : memref<10000x128xf32, #tpu.memory_space<hbm>> -> memref<10000x128xf32, #tpu.memory_space<hbm>>
    tpu.enqueue_indirect_dma source(%dma_start3A_16 : memref<10000x128xf32, #tpu.memory_space<hbm>>) target(%arg10 : memref<80x128xf32, #tpu.memory_space<vmem>>) offsets(%dma_start3A_13 : memref<80xi32, #tpu.memory_space<vmem>>) semaphore(%arg18 : memref<!tpu.dma_semaphore, #tpu.memory_space<semaphore_mem>>)
    %dma_start3A_17 = arith.constant 80 : i32
    %dma_start3A_18 = tpu.memref_slice %arg7[%dma_start3A_17] : memref<10000xi32, #tpu.memory_space<vmem>> -> memref<80xi32, #tpu.memory_space<vmem>>
    %dma_start3A_19 = arith.constant 0 : i32
    %dma_start3A_20 = arith.constant 0 : i32
    %dma_start3A_21 = tpu.memref_slice %arg2[%dma_start3A_19, %dma_start3A_20] : memref<10000x128xf32, #tpu.memory_space<hbm>> -> memref<10000x128xf32, #tpu.memory_space<hbm>>
    tpu.enqueue_indirect_dma source(%dma_start3A_21 : memref<10000x128xf32, #tpu.memory_space<hbm>>) target(%arg11 : memref<80x128xf32, #tpu.memory_space<vmem>>) offsets(%dma_start3A_18 : memref<80xi32, #tpu.memory_space<vmem>>) semaphore(%arg19 : memref<!tpu.dma_semaphore, #tpu.memory_space<semaphore_mem>>)
    %dma_start3A_22 = arith.constant 160 : i32
    %dma_start3A_23 = tpu.memref_slice %arg6[%dma_start3A_22] : memref<10000xi32, #tpu.memory_space<vmem>> -> memref<80xi32, #tpu.memory_space<vmem>>
    %dma_start3A_24 = arith.constant 0 : i32
    %dma_start3A_25 = arith.constant 0 : i32
    %dma_start3A_26 = tpu.memref_slice %arg2[%dma_start3A_24, %dma_start3A_25] : memref<10000x128xf32, #tpu.memory_space<hbm>> -> memref<10000x128xf32, #tpu.memory_space<hbm>>
    tpu.enqueue_indirect_dma source(%dma_start3A_26 : memref<10000x128xf32, #tpu.memory_space<hbm>>) target(%arg12 : memref<80x128xf32, #tpu.memory_space<vmem>>) offsets(%dma_start3A_23 : memref<80xi32, #tpu.memory_space<vmem>>) semaphore(%arg20 : memref<!tpu.dma_semaphore, #tpu.memory_space<semaphore_mem>>)
    %dma_start3A_27 = arith.constant 160 : i32
    %dma_start3A_28 = tpu.memref_slice %arg7[%dma_start3A_27] : memref<10000xi32, #tpu.memory_space<vmem>> -> memref<80xi32, #tpu.memory_space<vmem>>
    %dma_start3A_29 = arith.constant 0 : i32
    %dma_start3A_30 = arith.constant 0 : i32
    %dma_start3A_31 = tpu.memref_slice %arg2[%dma_start3A_29, %dma_start3A_30] : memref<10000x128xf32, #tpu.memory_space<hbm>> -> memref<10000x128xf32, #tpu.memory_space<hbm>>
    tpu.enqueue_indirect_dma source(%dma_start3A_31 : memref<10000x128xf32, #tpu.memory_space<hbm>>) target(%arg13 : memref<80x128xf32, #tpu.memory_space<vmem>>) offsets(%dma_start3A_28 : memref<80xi32, #tpu.memory_space<vmem>>) semaphore(%arg21 : memref<!tpu.dma_semaphore, #tpu.memory_space<semaphore_mem>>)
    %scan3A = arith.constant 0 : i32
    %scan3A_32 = arith.constant 0 : i32
    %scan3A_33 = arith.constant 30 : i32
    %scan3A_34 = arith.addi %scan3A_32, %scan3A_33 : i32
    %scan3A_35 = arith.constant 1 : i32
    %scan3A_36 = scf.for %scan3A_218 = %scan3A_32 to %scan3A_34 step %scan3A_35 iter_args(%scan3A_219 = %scan3A) -> (i32)  : i32 {
      %mul3A_220 = arith.constant 4 : i32
      %mul3A_221 = arith.muli %scan3A_218, %mul3A_220 : i32
      %add3A_222 = arith.constant 0 : i32
      %add3A_223 = arith.addi %mul3A_221, %add3A_222 : i32
      %dma_wait3A_224 = arith.constant 0 : i32
      %dma_wait3A_225 = arith.constant 0 : i32
      %dma_wait3A_226 = tpu.memref_slice %arg5[%dma_wait3A_224, %dma_wait3A_225] : memref<320000x128xf32, #tpu.memory_space<hbm>> -> memref<80x128xf32, #tpu.memory_space<hbm>>
      %dma_wait3A_227 = arith.constant 0 : i32
      %dma_wait3A_228 = arith.constant 0 : i32
      %dma_wait3A_229 = tpu.memref_slice %arg5[%dma_wait3A_227, %dma_wait3A_228] : memref<320000x128xf32, #tpu.memory_space<hbm>> -> memref<80x128xf32, #tpu.memory_space<hbm>>
      tpu.wait_dma2 semaphore(%arg16 : memref<!tpu.dma_semaphore, #tpu.memory_space<semaphore_mem>>) src(%dma_wait3A_229 : memref<80x128xf32, #tpu.memory_space<hbm>>) dst(%arg8 : memref<80x128xf32, #tpu.memory_space<vmem>>)
      %dma_wait3A_230 = arith.constant 0 : i32
      %dma_wait3A_231 = arith.constant 0 : i32
      %dma_wait3A_232 = tpu.memref_slice %arg5[%dma_wait3A_230, %dma_wait3A_231] : memref<320000x128xf32, #tpu.memory_space<hbm>> -> memref<80x128xf32, #tpu.memory_space<hbm>>
      %dma_wait3A_233 = arith.constant 0 : i32
      %dma_wait3A_234 = arith.constant 0 : i32
      %dma_wait3A_235 = tpu.memref_slice %arg5[%dma_wait3A_233, %dma_wait3A_234] : memref<320000x128xf32, #tpu.memory_space<hbm>> -> memref<80x128xf32, #tpu.memory_space<hbm>>
      tpu.wait_dma2 semaphore(%arg17 : memref<!tpu.dma_semaphore, #tpu.memory_space<semaphore_mem>>) src(%dma_wait3A_235 : memref<80x128xf32, #tpu.memory_space<hbm>>) dst(%arg9 : memref<80x128xf32, #tpu.memory_space<vmem>>)
      %scan3A_236 = arith.constant 0 : i32
      %scan3A_237 = arith.constant 0 : i32
      %scan3A_238 = arith.constant 80 : i32
      %scan3A_239 = arith.addi %scan3A_237, %scan3A_238 : i32
      %scan3A_240 = arith.constant 1 : i32
      %scan3A_241 = scf.for %scan3A_417 = %scan3A_237 to %scan3A_239 step %scan3A_240 iter_args(%scan3A_418 = %scan3A_236) -> (i32)  : i32 {
        %get3A = arith.index_cast %scan3A_417 : i32 to index
        %get3A_419 = arith.constant 0 : index
        %get3A_420 = tpu.vector_load %arg8[%get3A, %get3A_419] {strides = array<i32>} : memref<80x128xf32, #tpu.memory_space<vmem>>, vector<1x16xf32>,
        %get3A_421 = vector.shape_cast %get3A_420 : vector<1x16xf32> to vector<16xf32>
        %get3A_422 = arith.index_cast %scan3A_417 : i32 to index
        %get3A_423 = arith.constant 0 : index
        %get3A_424 = tpu.vector_load %arg9[%get3A_422, %get3A_423] {strides = array<i32>} : memref<80x128xf32, #tpu.memory_space<vmem>>, vector<1x16xf32>,
        %get3A_425 = vector.shape_cast %get3A_424 : vector<1x16xf32> to vector<16xf32>
        %mul3A_426 = arith.mulf %get3A_421, %get3A_425 : vector<16xf32>
        %swap3A = arith.index_cast %scan3A_417 : i32 to index
        %swap3A_427 = arith.constant 0 : index
        %swap3A_428 = tpu.vector_load %arg8[%swap3A, %swap3A_427] {strides = array<i32>} : memref<80x128xf32, #tpu.memory_space<vmem>>, vector<1x16xf32>,
        %swap3A_429 = vector.shape_cast %swap3A_428 : vector<1x16xf32> to vector<16xf32>
        %swap3A_430 = vector.shape_cast %mul3A_426 : vector<16xf32> to vector<1x16xf32>
        tpu.vector_store %arg8[%swap3A, %swap3A_427], %swap3A_430 {strides = array<i32>} : memref<80x128xf32, #tpu.memory_space<vmem>>, vector<1x16xf32>,
        %get3A_431 = arith.index_cast %scan3A_417 : i32 to index
        %get3A_432 = arith.constant 16 : index
        %get3A_433 = tpu.vector_load %arg8[%get3A_431, %get3A_432] {strides = array<i32>} : memref<80x128xf32, #tpu.memory_space<vmem>>, vector<1x16xf32>,
        %get3A_434 = vector.shape_cast %get3A_433 : vector<1x16xf32> to vector<16xf32>
        %get3A_435 = arith.index_cast %scan3A_417 : i32 to index
        %get3A_436 = arith.constant 16 : index
        %get3A_437 = tpu.vector_load %arg9[%get3A_435, %get3A_436] {strides = array<i32>} : memref<80x128xf32, #tpu.memory_space<vmem>>, vector<1x16xf32>,
        %get3A_438 = vector.shape_cast %get3A_437 : vector<1x16xf32> to vector<16xf32>
        %mul3A_439 = arith.mulf %get3A_434, %get3A_438 : vector<16xf32>
        %swap3A_440 = arith.index_cast %scan3A_417 : i32 to index
        %swap3A_441 = arith.constant 16 : index
        %swap3A_442 = tpu.vector_load %arg8[%swap3A_440, %swap3A_441] {strides = array<i32>} : memref<80x128xf32, #tpu.memory_space<vmem>>, vector<1x16xf32>,
        %swap3A_443 = vector.shape_cast %swap3A_442 : vector<1x16xf32> to vector<16xf32>
        %swap3A_444 = vector.shape_cast %mul3A_439 : vector<16xf32> to vector<1x16xf32>
        tpu.vector_store %arg8[%swap3A_440, %swap3A_441], %swap3A_444 {strides = array<i32>} : memref<80x128xf32, #tpu.memory_space<vmem>>, vector<1x16xf32>,
        %get3A_445 = arith.index_cast %scan3A_417 : i32 to index
        %get3A_446 = arith.constant 32 : index
        %get3A_447 = tpu.vector_load %arg8[%get3A_445, %get3A_446] {strides = array<i32>} : memref<80x128xf32, #tpu.memory_space<vmem>>, vector<1x16xf32>,
        %get3A_448 = vector.shape_cast %get3A_447 : vector<1x16xf32> to vector<16xf32>
        %get3A_449 = arith.index_cast %scan3A_417 : i32 to index
        %get3A_450 = arith.constant 32 : index
        %get3A_451 = tpu.vector_load %arg9[%get3A_449, %get3A_450] {strides = array<i32>} : memref<80x128xf32, #tpu.memory_space<vmem>>, vector<1x16xf32>,
        %get3A_452 = vector.shape_cast %get3A_451 : vector<1x16xf32> to vector<16xf32>
        %mul3A_453 = arith.mulf %get3A_448, %get3A_452 : vector<16xf32>
        %swap3A_454 = arith.index_cast %scan3A_417 : i32 to index
        %swap3A_455 = arith.constant 32 : index
        %swap3A_456 = tpu.vector_load %arg8[%swap3A_454, %swap3A_455] {strides = array<i32>} : memref<80x128xf32, #tpu.memory_space<vmem>>, vector<1x16xf32>,
        %swap3A_457 = vector.shape_cast %swap3A_456 : vector<1x16xf32> to vector<16xf32>
        %swap3A_458 = vector.shape_cast %mul3A_453 : vector<16xf32> to vector<1x16xf32>
        tpu.vector_store %arg8[%swap3A_454, %swap3A_455], %swap3A_458 {strides = array<i32>} : memref<80x128xf32, #tpu.memory_space<vmem>>, vector<1x16xf32>,
        %get3A_459 = arith.index_cast %scan3A_417 : i32 to index
        %get3A_460 = arith.constant 48 : index
        %get3A_461 = tpu.vector_load %arg8[%get3A_459, %get3A_460] {strides = array<i32>} : memref<80x128xf32, #tpu.memory_space<vmem>>, vector<1x16xf32>,
        %get3A_462 = vector.shape_cast %get3A_461 : vector<1x16xf32> to vector<16xf32>
        %get3A_463 = arith.index_cast %scan3A_417 : i32 to index
        %get3A_464 = arith.constant 48 : index
        %get3A_465 = tpu.vector_load %arg9[%get3A_463, %get3A_464] {strides = array<i32>} : memref<80x128xf32, #tpu.memory_space<vmem>>, vector<1x16xf32>,
        %get3A_466 = vector.shape_cast %get3A_465 : vector<1x16xf32> to vector<16xf32>
        %mul3A_467 = arith.mulf %get3A_462, %get3A_466 : vector<16xf32>
        %swap3A_468 = arith.index_cast %scan3A_417 : i32 to index
        %swap3A_469 = arith.constant 48 : index
        %swap3A_470 = tpu.vector_load %arg8[%swap3A_468, %swap3A_469] {strides = array<i32>} : memref<80x128xf32, #tpu.memory_space<vmem>>, vector<1x16xf32>,
        %swap3A_471 = vector.shape_cast %swap3A_470 : vector<1x16xf32> to vector<16xf32>
        %swap3A_472 = vector.shape_cast %mul3A_467 : vector<16xf32> to vector<1x16xf32>
        tpu.vector_store %arg8[%swap3A_468, %swap3A_469], %swap3A_472 {strides = array<i32>} : memref<80x128xf32, #tpu.memory_space<vmem>>, vector<1x16xf32>,
        %get3A_473 = arith.index_cast %scan3A_417 : i32 to index
        %get3A_474 = arith.constant 64 : index
        %get3A_475 = tpu.vector_load %arg8[%get3A_473, %get3A_474] {strides = array<i32>} : memref<80x128xf32, #tpu.memory_space<vmem>>, vector<1x16xf32>,
        %get3A_476 = vector.shape_cast %get3A_475 : vector<1x16xf32> to vector<16xf32>
        %get3A_477 = arith.index_cast %scan3A_417 : i32 to index
        %get3A_478 = arith.constant 64 : index
        %get3A_479 = tpu.vector_load %arg9[%get3A_477, %get3A_478] {strides = array<i32>} : memref<80x128xf32, #tpu.memory_space<vmem>>, vector<1x16xf32>,
        %get3A_480 = vector.shape_cast %get3A_479 : vector<1x16xf32> to vector<16xf32>
        %mul3A_481 = arith.mulf %get3A_476, %get3A_480 : vector<16xf32>
        %swap3A_482 = arith.index_cast %scan3A_417 : i32 to index
        %swap3A_483 = arith.constant 64 : index
        %swap3A_484 = tpu.vector_load %arg8[%swap3A_482, %swap3A_483] {strides = array<i32>} : memref<80x128xf32, #tpu.memory_space<vmem>>, vector<1x16xf32>,
        %swap3A_485 = vector.shape_cast %swap3A_484 : vector<1x16xf32> to vector<16xf32>
        %swap3A_486 = vector.shape_cast %mul3A_481 : vector<16xf32> to vector<1x16xf32>
        tpu.vector_store %arg8[%swap3A_482, %swap3A_483], %swap3A_486 {strides = array<i32>} : memref<80x128xf32, #tpu.memory_space<vmem>>, vector<1x16xf32>,
        %get3A_487 = arith.index_cast %scan3A_417 : i32 to index
        %get3A_488 = arith.constant 80 : index
        %get3A_489 = tpu.vector_load %arg8[%get3A_487, %get3A_488] {strides = array<i32>} : memref<80x128xf32, #tpu.memory_space<vmem>>, vector<1x16xf32>,
        %get3A_490 = vector.shape_cast %get3A_489 : vector<1x16xf32> to vector<16xf32>
        %get3A_491 = arith.index_cast %scan3A_417 : i32 to index
        %get3A_492 = arith.constant 80 : index
        %get3A_493 = tpu.vector_load %arg9[%get3A_491, %get3A_492] {strides = array<i32>} : memref<80x128xf32, #tpu.memory_space<vmem>>, vector<1x16xf32>,
        %get3A_494 = vector.shape_cast %get3A_493 : vector<1x16xf32> to vector<16xf32>
        %mul3A_495 = arith.mulf %get3A_490, %get3A_494 : vector<16xf32>
        %swap3A_496 = arith.index_cast %scan3A_417 : i32 to index
        %swap3A_497 = arith.constant 80 : index
        %swap3A_498 = tpu.vector_load %arg8[%swap3A_496, %swap3A_497] {strides = array<i32>} : memref<80x128xf32, #tpu.memory_space<vmem>>, vector<1x16xf32>,
        %swap3A_499 = vector.shape_cast %swap3A_498 : vector<1x16xf32> to vector<16xf32>
        %swap3A_500 = vector.shape_cast %mul3A_495 : vector<16xf32> to vector<1x16xf32>
        tpu.vector_store %arg8[%swap3A_496, %swap3A_497], %swap3A_500 {strides = array<i32>} : memref<80x128xf32, #tpu.memory_space<vmem>>, vector<1x16xf32>,
        %get3A_501 = arith.index_cast %scan3A_417 : i32 to index
        %get3A_502 = arith.constant 96 : index
        %get3A_503 = tpu.vector_load %arg8[%get3A_501, %get3A_502] {strides = array<i32>} : memref<80x128xf32, #tpu.memory_space<vmem>>, vector<1x16xf32>,
        %get3A_504 = vector.shape_cast %get3A_503 : vector<1x16xf32> to vector<16xf32>
        %get3A_505 = arith.index_cast %scan3A_417 : i32 to index
        %get3A_506 = arith.constant 96 : index
        %get3A_507 = tpu.vector_load %arg9[%get3A_505, %get3A_506] {strides = array<i32>} : memref<80x128xf32, #tpu.memory_space<vmem>>, vector<1x16xf32>,
        %get3A_508 = vector.shape_cast %get3A_507 : vector<1x16xf32> to vector<16xf32>
        %mul3A_509 = arith.mulf %get3A_504, %get3A_508 : vector<16xf32>
        %swap3A_510 = arith.index_cast %scan3A_417 : i32 to index
        %swap3A_511 = arith.constant 96 : index
        %swap3A_512 = tpu.vector_load %arg8[%swap3A_510, %swap3A_511] {strides = array<i32>} : memref<80x128xf32, #tpu.memory_space<vmem>>, vector<1x16xf32>,
        %swap3A_513 = vector.shape_cast %swap3A_512 : vector<1x16xf32> to vector<16xf32>
        %swap3A_514 = vector.shape_cast %mul3A_509 : vector<16xf32> to vector<1x16xf32>
        tpu.vector_store %arg8[%swap3A_510, %swap3A_511], %swap3A_514 {strides = array<i32>} : memref<80x128xf32, #tpu.memory_space<vmem>>, vector<1x16xf32>,
        %get3A_515 = arith.index_cast %scan3A_417 : i32 to index
        %get3A_516 = arith.constant 112 : index
        %get3A_517 = tpu.vector_load %arg8[%get3A_515, %get3A_516] {strides = array<i32>} : memref<80x128xf32, #tpu.memory_space<vmem>>, vector<1x16xf32>,
        %get3A_518 = vector.shape_cast %get3A_517 : vector<1x16xf32> to vector<16xf32>
        %get3A_519 = arith.index_cast %scan3A_417 : i32 to index
        %get3A_520 = arith.constant 112 : index
        %get3A_521 = tpu.vector_load %arg9[%get3A_519, %get3A_520] {strides = array<i32>} : memref<80x128xf32, #tpu.memory_space<vmem>>, vector<1x16xf32>,
        %get3A_522 = vector.shape_cast %get3A_521 : vector<1x16xf32> to vector<16xf32>
        %mul3A_523 = arith.mulf %get3A_518, %get3A_522 : vector<16xf32>
        %swap3A_524 = arith.index_cast %scan3A_417 : i32 to index
        %swap3A_525 = arith.constant 112 : index
        %swap3A_526 = tpu.vector_load %arg8[%swap3A_524, %swap3A_525] {strides = array<i32>} : memref<80x128xf32, #tpu.memory_space<vmem>>, vector<1x16xf32>,
        %swap3A_527 = vector.shape_cast %swap3A_526 : vector<1x16xf32> to vector<16xf32>
        %swap3A_528 = vector.shape_cast %mul3A_523 : vector<16xf32> to vector<1x16xf32>
        tpu.vector_store %arg8[%swap3A_524, %swap3A_525], %swap3A_528 {strides = array<i32>} : memref<80x128xf32, #tpu.memory_space<vmem>>, vector<1x16xf32>,
        %scan3A_529 = arith.constant 0 : i32
        scf.yield %scan3A_529 : i32
      }
      %scan3A_242 = arith.constant 80 : i32
      %mul3A_243 = arith.constant 80 : i32
      %mul3A_244 = arith.muli %add3A_223, %mul3A_243 : i32
      %add3A_245 = arith.addi %mul3A_2, %mul3A_244 : i32
      %dma_start3A_246 = arith.constant 0 : i32
      %dma_start3A_247 = tpu.memref_slice %arg5[%add3A_245, %dma_start3A_246] : memref<320000x128xf32, #tpu.memory_space<hbm>> -> memref<80x128xf32, #tpu.memory_space<hbm>>
      %dma_start3A_248 = arith.constant 0 : i32
      %dma_start3A_249 = tpu.memref_slice %arg5[%add3A_245, %dma_start3A_248] : memref<320000x128xf32, #tpu.memory_space<hbm>> -> memref<80x128xf32, #tpu.memory_space<hbm>>
      tpu.enqueue_dma source(%arg8 : memref<80x128xf32, #tpu.memory_space<vmem>>) target(%dma_start3A_249 : memref<80x128xf32, #tpu.memory_space<hbm>>) target_semaphore(%arg24 : memref<!tpu.dma_semaphore, #tpu.memory_space<semaphore_mem>>)
      %ge3A = arith.constant 1 : i32
      %ge3A_250 = arith.cmpi sge, %scan3A_218, %ge3A : i32
      %convert_element_type3A = arith.extui %ge3A_250 : i1 to i32
      %cond3A = arith.constant 0 : i32
      %cond3A_251 = arith.cmpi ne, %convert_element_type3A, %cond3A : i32
      scf.if %cond3A_251 {
        %dma_wait3A_417 = arith.constant 0 : i32
        %dma_wait3A_418 = arith.constant 0 : i32
        %dma_wait3A_419 = tpu.memref_slice %arg5[%dma_wait3A_417, %dma_wait3A_418] : memref<320000x128xf32, #tpu.memory_space<hbm>> -> memref<80x128xf32, #tpu.memory_space<hbm>>
        %dma_wait3A_420 = arith.constant 0 : i32
        %dma_wait3A_421 = arith.constant 0 : i32
        %dma_wait3A_422 = tpu.memref_slice %arg5[%dma_wait3A_420, %dma_wait3A_421] : memref<320000x128xf32, #tpu.memory_space<hbm>> -> memref<80x128xf32, #tpu.memory_space<hbm>>
        tpu.wait_dma2 semaphore(%arg27 : memref<!tpu.dma_semaphore, #tpu.memory_space<semaphore_mem>>) src(%dma_wait3A_422 : memref<80x128xf32, #tpu.memory_space<hbm>>) dst(%arg14 : memref<80x128xf32, #tpu.memory_space<vmem>>)
      } else {
      }
      %add3A_252 = arith.constant 3 : i32
      %add3A_253 = arith.addi %add3A_223, %add3A_252 : i32
      %mul3A_254 = arith.constant 80 : i32
      %mul3A_255 = arith.muli %add3A_253, %mul3A_254 : i32
      %dma_start3A_256 = tpu.memref_slice %arg6[%mul3A_255] : memref<10000xi32, #tpu.memory_space<vmem>> -> memref<80xi32, #tpu.memory_space<vmem>>
      %dma_start3A_257 = arith.constant 0 : i32
      %dma_start3A_258 = arith.constant 0 : i32
      %dma_start3A_259 = tpu.memref_slice %arg2[%dma_start3A_257, %dma_start3A_258] : memref<10000x128xf32, #tpu.memory_space<hbm>> -> memref<10000x128xf32, #tpu.memory_space<hbm>>
      tpu.enqueue_indirect_dma source(%dma_start3A_259 : memref<10000x128xf32, #tpu.memory_space<hbm>>) target(%arg14 : memref<80x128xf32, #tpu.memory_space<vmem>>) offsets(%dma_start3A_256 : memref<80xi32, #tpu.memory_space<vmem>>) semaphore(%arg22 : memref<!tpu.dma_semaphore, #tpu.memory_space<semaphore_mem>>)
      %mul3A_260 = arith.constant 80 : i32
      %mul3A_261 = arith.muli %add3A_253, %mul3A_260 : i32
      %dma_start3A_262 = tpu.memref_slice %arg7[%mul3A_261] : memref<10000xi32, #tpu.memory_space<vmem>> -> memref<80xi32, #tpu.memory_space<vmem>>
      %dma_start3A_263 = arith.constant 0 : i32
      %dma_start3A_264 = arith.constant 0 : i32
      %dma_start3A_265 = tpu.memref_slice %arg2[%dma_start3A_263, %dma_start3A_264] : memref<10000x128xf32, #tpu.memory_space<hbm>> -> memref<10000x128xf32, #tpu.memory_space<hbm>>
      tpu.enqueue_indirect_dma source(%dma_start3A_265 : memref<10000x128xf32, #tpu.memory_space<hbm>>) target(%arg15 : memref<80x128xf32, #tpu.memory_space<vmem>>) offsets(%dma_start3A_262 : memref<80xi32, #tpu.memory_space<vmem>>) semaphore(%arg23 : memref<!tpu.dma_semaphore, #tpu.memory_space<semaphore_mem>>)
      %mul3A_266 = arith.constant 4 : i32
      %mul3A_267 = arith.muli %scan3A_218, %mul3A_266 : i32
      %add3A_268 = arith.constant 1 : i32
      %add3A_269 = arith.addi %mul3A_267, %add3A_268 : i32
      %dma_wait3A_270 = arith.constant 0 : i32
      %dma_wait3A_271 = arith.constant 0 : i32
      %dma_wait3A_272 = tpu.memref_slice %arg5[%dma_wait3A_270, %dma_wait3A_271] : memref<320000x128xf32, #tpu.memory_space<hbm>> -> memref<80x128xf32, #tpu.memory_space<hbm>>
      %dma_wait3A_273 = arith.constant 0 : i32
      %dma_wait3A_274 = arith.constant 0 : i32
      %dma_wait3A_275 = tpu.memref_slice %arg5[%dma_wait3A_273, %dma_wait3A_274] : memref<320000x128xf32, #tpu.memory_space<hbm>> -> memref<80x128xf32, #tpu.memory_space<hbm>>
      tpu.wait_dma2 semaphore(%arg18 : memref<!tpu.dma_semaphore, #tpu.memory_space<semaphore_mem>>) src(%dma_wait3A_275 : memref<80x128xf32, #tpu.memory_space<hbm>>) dst(%arg10 : memref<80x128xf32, #tpu.memory_space<vmem>>)
      %dma_wait3A_276 = arith.constant 0 : i32
      %dma_wait3A_277 = arith.constant 0 : i32
      %dma_wait3A_278 = tpu.memref_slice %arg5[%dma_wait3A_276, %dma_wait3A_277] : memref<320000x128xf32, #tpu.memory_space<hbm>> -> memref<80x128xf32, #tpu.memory_space<hbm>>
      %dma_wait3A_279 = arith.constant 0 : i32
      %dma_wait3A_280 = arith.constant 0 : i32
      %dma_wait3A_281 = tpu.memref_slice %arg5[%dma_wait3A_279, %dma_wait3A_280] : memref<320000x128xf32, #tpu.memory_space<hbm>> -> memref<80x128xf32, #tpu.memory_space<hbm>>
      tpu.wait_dma2 semaphore(%arg19 : memref<!tpu.dma_semaphore, #tpu.memory_space<semaphore_mem>>) src(%dma_wait3A_281 : memref<80x128xf32, #tpu.memory_space<hbm>>) dst(%arg11 : memref<80x128xf32, #tpu.memory_space<vmem>>)
      %scan3A_282 = arith.constant 0 : i32
      %scan3A_283 = arith.constant 0 : i32
      %scan3A_284 = arith.constant 80 : i32
      %scan3A_285 = arith.addi %scan3A_283, %scan3A_284 : i32
      %scan3A_286 = arith.constant 1 : i32
      %scan3A_287 = scf.for %scan3A_417 = %scan3A_283 to %scan3A_285 step %scan3A_286 iter_args(%scan3A_418 = %scan3A_282) -> (i32)  : i32 {
        %get3A = arith.index_cast %scan3A_417 : i32 to index
        %get3A_419 = arith.constant 0 : index
        %get3A_420 = tpu.vector_load %arg10[%get3A, %get3A_419] {strides = array<i32>} : memref<80x128xf32, #tpu.memory_space<vmem>>, vector<1x16xf32>,
        %get3A_421 = vector.shape_cast %get3A_420 : vector<1x16xf32> to vector<16xf32>
        %get3A_422 = arith.index_cast %scan3A_417 : i32 to index
        %get3A_423 = arith.constant 0 : index
        %get3A_424 = tpu.vector_load %arg11[%get3A_422, %get3A_423] {strides = array<i32>} : memref<80x128xf32, #tpu.memory_space<vmem>>, vector<1x16xf32>,
        %get3A_425 = vector.shape_cast %get3A_424 : vector<1x16xf32> to vector<16xf32>
        %mul3A_426 = arith.mulf %get3A_421, %get3A_425 : vector<16xf32>
        %swap3A = arith.index_cast %scan3A_417 : i32 to index
        %swap3A_427 = arith.constant 0 : index
        %swap3A_428 = tpu.vector_load %arg10[%swap3A, %swap3A_427] {strides = array<i32>} : memref<80x128xf32, #tpu.memory_space<vmem>>, vector<1x16xf32>,
        %swap3A_429 = vector.shape_cast %swap3A_428 : vector<1x16xf32> to vector<16xf32>
        %swap3A_430 = vector.shape_cast %mul3A_426 : vector<16xf32> to vector<1x16xf32>
        tpu.vector_store %arg10[%swap3A, %swap3A_427], %swap3A_430 {strides = array<i32>} : memref<80x128xf32, #tpu.memory_space<vmem>>, vector<1x16xf32>,
        %get3A_431 = arith.index_cast %scan3A_417 : i32 to index
        %get3A_432 = arith.constant 16 : index
        %get3A_433 = tpu.vector_load %arg10[%get3A_431, %get3A_432] {strides = array<i32>} : memref<80x128xf32, #tpu.memory_space<vmem>>, vector<1x16xf32>,
        %get3A_434 = vector.shape_cast %get3A_433 : vector<1x16xf32> to vector<16xf32>
        %get3A_435 = arith.index_cast %scan3A_417 : i32 to index
        %get3A_436 = arith.constant 16 : index
        %get3A_437 = tpu.vector_load %arg11[%get3A_435, %get3A_436] {strides = array<i32>} : memref<80x128xf32, #tpu.memory_space<vmem>>, vector<1x16xf32>,
        %get3A_438 = vector.shape_cast %get3A_437 : vector<1x16xf32> to vector<16xf32>
        %mul3A_439 = arith.mulf %get3A_434, %get3A_438 : vector<16xf32>
        %swap3A_440 = arith.index_cast %scan3A_417 : i32 to index
        %swap3A_441 = arith.constant 16 : index
        %swap3A_442 = tpu.vector_load %arg10[%swap3A_440, %swap3A_441] {strides = array<i32>} : memref<80x128xf32, #tpu.memory_space<vmem>>, vector<1x16xf32>,
        %swap3A_443 = vector.shape_cast %swap3A_442 : vector<1x16xf32> to vector<16xf32>
        %swap3A_444 = vector.shape_cast %mul3A_439 : vector<16xf32> to vector<1x16xf32>
        tpu.vector_store %arg10[%swap3A_440, %swap3A_441], %swap3A_444 {strides = array<i32>} : memref<80x128xf32, #tpu.memory_space<vmem>>, vector<1x16xf32>,
        %get3A_445 = arith.index_cast %scan3A_417 : i32 to index
        %get3A_446 = arith.constant 32 : index
        %get3A_447 = tpu.vector_load %arg10[%get3A_445, %get3A_446] {strides = array<i32>} : memref<80x128xf32, #tpu.memory_space<vmem>>, vector<1x16xf32>,
        %get3A_448 = vector.shape_cast %get3A_447 : vector<1x16xf32> to vector<16xf32>
        %get3A_449 = arith.index_cast %scan3A_417 : i32 to index
        %get3A_450 = arith.constant 32 : index
        %get3A_451 = tpu.vector_load %arg11[%get3A_449, %get3A_450] {strides = array<i32>} : memref<80x128xf32, #tpu.memory_space<vmem>>, vector<1x16xf32>,
        %get3A_452 = vector.shape_cast %get3A_451 : vector<1x16xf32> to vector<16xf32>
        %mul3A_453 = arith.mulf %get3A_448, %get3A_452 : vector<16xf32>
        %swap3A_454 = arith.index_cast %scan3A_417 : i32 to index
        %swap3A_455 = arith.constant 32 : index
        %swap3A_456 = tpu.vector_load %arg10[%swap3A_454, %swap3A_455] {strides = array<i32>} : memref<80x128xf32, #tpu.memory_space<vmem>>, vector<1x16xf32>,
        %swap3A_457 = vector.shape_cast %swap3A_456 : vector<1x16xf32> to vector<16xf32>
        %swap3A_458 = vector.shape_cast %mul3A_453 : vector<16xf32> to vector<1x16xf32>
        tpu.vector_store %arg10[%swap3A_454, %swap3A_455], %swap3A_458 {strides = array<i32>} : memref<80x128xf32, #tpu.memory_space<vmem>>, vector<1x16xf32>,
        %get3A_459 = arith.index_cast %scan3A_417 : i32 to index
        %get3A_460 = arith.constant 48 : index
        %get3A_461 = tpu.vector_load %arg10[%get3A_459, %get3A_460] {strides = array<i32>} : memref<80x128xf32, #tpu.memory_space<vmem>>, vector<1x16xf32>,
        %get3A_462 = vector.shape_cast %get3A_461 : vector<1x16xf32> to vector<16xf32>
        %get3A_463 = arith.index_cast %scan3A_417 : i32 to index
        %get3A_464 = arith.constant 48 : index
        %get3A_465 = tpu.vector_load %arg11[%get3A_463, %get3A_464] {strides = array<i32>} : memref<80x128xf32, #tpu.memory_space<vmem>>, vector<1x16xf32>,
        %get3A_466 = vector.shape_cast %get3A_465 : vector<1x16xf32> to vector<16xf32>
        %mul3A_467 = arith.mulf %get3A_462, %get3A_466 : vector<16xf32>
        %swap3A_468 = arith.index_cast %scan3A_417 : i32 to index
        %swap3A_469 = arith.constant 48 : index
        %swap3A_470 = tpu.vector_load %arg10[%swap3A_468, %swap3A_469] {strides = array<i32>} : memref<80x128xf32, #tpu.memory_space<vmem>>, vector<1x16xf32>,
        %swap3A_471 = vector.shape_cast %swap3A_470 : vector<1x16xf32> to vector<16xf32>
        %swap3A_472 = vector.shape_cast %mul3A_467 : vector<16xf32> to vector<1x16xf32>
        tpu.vector_store %arg10[%swap3A_468, %swap3A_469], %swap3A_472 {strides = array<i32>} : memref<80x128xf32, #tpu.memory_space<vmem>>, vector<1x16xf32>,
        %get3A_473 = arith.index_cast %scan3A_417 : i32 to index
        %get3A_474 = arith.constant 64 : index
        %get3A_475 = tpu.vector_load %arg10[%get3A_473, %get3A_474] {strides = array<i32>} : memref<80x128xf32, #tpu.memory_space<vmem>>, vector<1x16xf32>,
        %get3A_476 = vector.shape_cast %get3A_475 : vector<1x16xf32> to vector<16xf32>
        %get3A_477 = arith.index_cast %scan3A_417 : i32 to index
        %get3A_478 = arith.constant 64 : index
        %get3A_479 = tpu.vector_load %arg11[%get3A_477, %get3A_478] {strides = array<i32>} : memref<80x128xf32, #tpu.memory_space<vmem>>, vector<1x16xf32>,
        %get3A_480 = vector.shape_cast %get3A_479 : vector<1x16xf32> to vector<16xf32>
        %mul3A_481 = arith.mulf %get3A_476, %get3A_480 : vector<16xf32>
        %swap3A_482 = arith.index_cast %scan3A_417 : i32 to index
        %swap3A_483 = arith.constant 64 : index
        %swap3A_484 = tpu.vector_load %arg10[%swap3A_482, %swap3A_483] {strides = array<i32>} : memref<80x128xf32, #tpu.memory_space<vmem>>, vector<1x16xf32>,
        %swap3A_485 = vector.shape_cast %swap3A_484 : vector<1x16xf32> to vector<16xf32>
        %swap3A_486 = vector.shape_cast %mul3A_481 : vector<16xf32> to vector<1x16xf32>
        tpu.vector_store %arg10[%swap3A_482, %swap3A_483], %swap3A_486 {strides = array<i32>} : memref<80x128xf32, #tpu.memory_space<vmem>>, vector<1x16xf32>,
        %get3A_487 = arith.index_cast %scan3A_417 : i32 to index
        %get3A_488 = arith.constant 80 : index
        %get3A_489 = tpu.vector_load %arg10[%get3A_487, %get3A_488] {strides = array<i32>} : memref<80x128xf32, #tpu.memory_space<vmem>>, vector<1x16xf32>,
        %get3A_490 = vector.shape_cast %get3A_489 : vector<1x16xf32> to vector<16xf32>
        %get3A_491 = arith.index_cast %scan3A_417 : i32 to index
        %get3A_492 = arith.constant 80 : index
        %get3A_493 = tpu.vector_load %arg11[%get3A_491, %get3A_492] {strides = array<i32>} : memref<80x128xf32, #tpu.memory_space<vmem>>, vector<1x16xf32>,
        %get3A_494 = vector.shape_cast %get3A_493 : vector<1x16xf32> to vector<16xf32>
        %mul3A_495 = arith.mulf %get3A_490, %get3A_494 : vector<16xf32>
        %swap3A_496 = arith.index_cast %scan3A_417 : i32 to index
        %swap3A_497 = arith.constant 80 : index
        %swap3A_498 = tpu.vector_load %arg10[%swap3A_496, %swap3A_497] {strides = array<i32>} : memref<80x128xf32, #tpu.memory_space<vmem>>, vector<1x16xf32>,
        %swap3A_499 = vector.shape_cast %swap3A_498 : vector<1x16xf32> to vector<16xf32>
        %swap3A_500 = vector.shape_cast %mul3A_495 : vector<16xf32> to vector<1x16xf32>
        tpu.vector_store %arg10[%swap3A_496, %swap3A_497], %swap3A_500 {strides = array<i32>} : memref<80x128xf32, #tpu.memory_space<vmem>>, vector<1x16xf32>,
        %get3A_501 = arith.index_cast %scan3A_417 : i32 to index
        %get3A_502 = arith.constant 96 : index
        %get3A_503 = tpu.vector_load %arg10[%get3A_501, %get3A_502] {strides = array<i32>} : memref<80x128xf32, #tpu.memory_space<vmem>>, vector<1x16xf32>,
        %get3A_504 = vector.shape_cast %get3A_503 : vector<1x16xf32> to vector<16xf32>
        %get3A_505 = arith.index_cast %scan3A_417 : i32 to index
        %get3A_506 = arith.constant 96 : index
        %get3A_507 = tpu.vector_load %arg11[%get3A_505, %get3A_506] {strides = array<i32>} : memref<80x128xf32, #tpu.memory_space<vmem>>, vector<1x16xf32>,
        %get3A_508 = vector.shape_cast %get3A_507 : vector<1x16xf32> to vector<16xf32>
        %mul3A_509 = arith.mulf %get3A_504, %get3A_508 : vector<16xf32>
        %swap3A_510 = arith.index_cast %scan3A_417 : i32 to index
        %swap3A_511 = arith.constant 96 : index
        %swap3A_512 = tpu.vector_load %arg10[%swap3A_510, %swap3A_511] {strides = array<i32>} : memref<80x128xf32, #tpu.memory_space<vmem>>, vector<1x16xf32>,
        %swap3A_513 = vector.shape_cast %swap3A_512 : vector<1x16xf32> to vector<16xf32>
        %swap3A_514 = vector.shape_cast %mul3A_509 : vector<16xf32> to vector<1x16xf32>
        tpu.vector_store %arg10[%swap3A_510, %swap3A_511], %swap3A_514 {strides = array<i32>} : memref<80x128xf32, #tpu.memory_space<vmem>>, vector<1x16xf32>,
        %get3A_515 = arith.index_cast %scan3A_417 : i32 to index
        %get3A_516 = arith.constant 112 : index
        %get3A_517 = tpu.vector_load %arg10[%get3A_515, %get3A_516] {strides = array<i32>} : memref<80x128xf32, #tpu.memory_space<vmem>>, vector<1x16xf32>,
        %get3A_518 = vector.shape_cast %get3A_517 : vector<1x16xf32> to vector<16xf32>
        %get3A_519 = arith.index_cast %scan3A_417 : i32 to index
        %get3A_520 = arith.constant 112 : index
        %get3A_521 = tpu.vector_load %arg11[%get3A_519, %get3A_520] {strides = array<i32>} : memref<80x128xf32, #tpu.memory_space<vmem>>, vector<1x16xf32>,
        %get3A_522 = vector.shape_cast %get3A_521 : vector<1x16xf32> to vector<16xf32>
        %mul3A_523 = arith.mulf %get3A_518, %get3A_522 : vector<16xf32>
        %swap3A_524 = arith.index_cast %scan3A_417 : i32 to index
        %swap3A_525 = arith.constant 112 : index
        %swap3A_526 = tpu.vector_load %arg10[%swap3A_524, %swap3A_525] {strides = array<i32>} : memref<80x128xf32, #tpu.memory_space<vmem>>, vector<1x16xf32>,
        %swap3A_527 = vector.shape_cast %swap3A_526 : vector<1x16xf32> to vector<16xf32>
        %swap3A_528 = vector.shape_cast %mul3A_523 : vector<16xf32> to vector<1x16xf32>
        tpu.vector_store %arg10[%swap3A_524, %swap3A_525], %swap3A_528 {strides = array<i32>} : memref<80x128xf32, #tpu.memory_space<vmem>>, vector<1x16xf32>,
        %scan3A_529 = arith.constant 0 : i32
        scf.yield %scan3A_529 : i32
      }
      %scan3A_288 = arith.constant 80 : i32
      %mul3A_289 = arith.constant 80 : i32
      %mul3A_290 = arith.muli %add3A_269, %mul3A_289 : i32
      %add3A_291 = arith.addi %mul3A_2, %mul3A_290 : i32
      %dma_start3A_292 = arith.constant 0 : i32
      %dma_start3A_293 = tpu.memref_slice %arg5[%add3A_291, %dma_start3A_292] : memref<320000x128xf32, #tpu.memory_space<hbm>> -> memref<80x128xf32, #tpu.memory_space<hbm>>
      %dma_start3A_294 = arith.constant 0 : i32
      %dma_start3A_295 = tpu.memref_slice %arg5[%add3A_291, %dma_start3A_294] : memref<320000x128xf32, #tpu.memory_space<hbm>> -> memref<80x128xf32, #tpu.memory_space<hbm>>
      tpu.enqueue_dma source(%arg10 : memref<80x128xf32, #tpu.memory_space<vmem>>) target(%dma_start3A_295 : memref<80x128xf32, #tpu.memory_space<hbm>>) target_semaphore(%arg25 : memref<!tpu.dma_semaphore, #tpu.memory_space<semaphore_mem>>)
      %dma_wait3A_296 = arith.constant 0 : i32
      %dma_wait3A_297 = arith.constant 0 : i32
      %dma_wait3A_298 = tpu.memref_slice %arg5[%dma_wait3A_296, %dma_wait3A_297] : memref<320000x128xf32, #tpu.memory_space<hbm>> -> memref<80x128xf32, #tpu.memory_space<hbm>>
      %dma_wait3A_299 = arith.constant 0 : i32
      %dma_wait3A_300 = arith.constant 0 : i32
      %dma_wait3A_301 = tpu.memref_slice %arg5[%dma_wait3A_299, %dma_wait3A_300] : memref<320000x128xf32, #tpu.memory_space<hbm>> -> memref<80x128xf32, #tpu.memory_space<hbm>>
      tpu.wait_dma2 semaphore(%arg24 : memref<!tpu.dma_semaphore, #tpu.memory_space<semaphore_mem>>) src(%dma_wait3A_301 : memref<80x128xf32, #tpu.memory_space<hbm>>) dst(%arg8 : memref<80x128xf32, #tpu.memory_space<vmem>>)
      %add3A_302 = arith.constant 3 : i32
      %add3A_303 = arith.addi %add3A_269, %add3A_302 : i32
      %mul3A_304 = arith.constant 80 : i32
      %mul3A_305 = arith.muli %add3A_303, %mul3A_304 : i32
      %dma_start3A_306 = tpu.memref_slice %arg6[%mul3A_305] : memref<10000xi32, #tpu.memory_space<vmem>> -> memref<80xi32, #tpu.memory_space<vmem>>
      %dma_start3A_307 = arith.constant 0 : i32
      %dma_start3A_308 = arith.constant 0 : i32
      %dma_start3A_309 = tpu.memref_slice %arg2[%dma_start3A_307, %dma_start3A_308] : memref<10000x128xf32, #tpu.memory_space<hbm>> -> memref<10000x128xf32, #tpu.memory_space<hbm>>
      tpu.enqueue_indirect_dma source(%dma_start3A_309 : memref<10000x128xf32, #tpu.memory_space<hbm>>) target(%arg8 : memref<80x128xf32, #tpu.memory_space<vmem>>) offsets(%dma_start3A_306 : memref<80xi32, #tpu.memory_space<vmem>>) semaphore(%arg16 : memref<!tpu.dma_semaphore, #tpu.memory_space<semaphore_mem>>)
      %mul3A_310 = arith.constant 80 : i32
      %mul3A_311 = arith.muli %add3A_303, %mul3A_310 : i32
      %dma_start3A_312 = tpu.memref_slice %arg7[%mul3A_311] : memref<10000xi32, #tpu.memory_space<vmem>> -> memref<80xi32, #tpu.memory_space<vmem>>
      %dma_start3A_313 = arith.constant 0 : i32
      %dma_start3A_314 = arith.constant 0 : i32
      %dma_start3A_315 = tpu.memref_slice %arg2[%dma_start3A_313, %dma_start3A_314] : memref<10000x128xf32, #tpu.memory_space<hbm>> -> memref<10000x128xf32, #tpu.memory_space<hbm>>
      tpu.enqueue_indirect_dma source(%dma_start3A_315 : memref<10000x128xf32, #tpu.memory_space<hbm>>) target(%arg9 : memref<80x128xf32, #tpu.memory_space<vmem>>) offsets(%dma_start3A_312 : memref<80xi32, #tpu.memory_space<vmem>>) semaphore(%arg17 : memref<!tpu.dma_semaphore, #tpu.memory_space<semaphore_mem>>)
      %mul3A_316 = arith.constant 4 : i32
      %mul3A_317 = arith.muli %scan3A_218, %mul3A_316 : i32
      %add3A_318 = arith.constant 2 : i32
      %add3A_319 = arith.addi %mul3A_317, %add3A_318 : i32
      %dma_wait3A_320 = arith.constant 0 : i32
      %dma_wait3A_321 = arith.constant 0 : i32
      %dma_wait3A_322 = tpu.memref_slice %arg5[%dma_wait3A_320, %dma_wait3A_321] : memref<320000x128xf32, #tpu.memory_space<hbm>> -> memref<80x128xf32, #tpu.memory_space<hbm>>
      %dma_wait3A_323 = arith.constant 0 : i32
      %dma_wait3A_324 = arith.constant 0 : i32
      %dma_wait3A_325 = tpu.memref_slice %arg5[%dma_wait3A_323, %dma_wait3A_324] : memref<320000x128xf32, #tpu.memory_space<hbm>> -> memref<80x128xf32, #tpu.memory_space<hbm>>
      tpu.wait_dma2 semaphore(%arg20 : memref<!tpu.dma_semaphore, #tpu.memory_space<semaphore_mem>>) src(%dma_wait3A_325 : memref<80x128xf32, #tpu.memory_space<hbm>>) dst(%arg12 : memref<80x128xf32, #tpu.memory_space<vmem>>)
      %dma_wait3A_326 = arith.constant 0 : i32
      %dma_wait3A_327 = arith.constant 0 : i32
      %dma_wait3A_328 = tpu.memref_slice %arg5[%dma_wait3A_326, %dma_wait3A_327] : memref<320000x128xf32, #tpu.memory_space<hbm>> -> memref<80x128xf32, #tpu.memory_space<hbm>>
      %dma_wait3A_329 = arith.constant 0 : i32
      %dma_wait3A_330 = arith.constant 0 : i32
      %dma_wait3A_331 = tpu.memref_slice %arg5[%dma_wait3A_329, %dma_wait3A_330] : memref<320000x128xf32, #tpu.memory_space<hbm>> -> memref<80x128xf32, #tpu.memory_space<hbm>>
      tpu.wait_dma2 semaphore(%arg21 : memref<!tpu.dma_semaphore, #tpu.memory_space<semaphore_mem>>) src(%dma_wait3A_331 : memref<80x128xf32, #tpu.memory_space<hbm>>) dst(%arg13 : memref<80x128xf32, #tpu.memory_space<vmem>>)
      %scan3A_332 = arith.constant 0 : i32
      %scan3A_333 = arith.constant 0 : i32
      %scan3A_334 = arith.constant 80 : i32
      %scan3A_335 = arith.addi %scan3A_333, %scan3A_334 : i32
      %scan3A_336 = arith.constant 1 : i32
      %scan3A_337 = scf.for %scan3A_417 = %scan3A_333 to %scan3A_335 step %scan3A_336 iter_args(%scan3A_418 = %scan3A_332) -> (i32)  : i32 {
        %get3A = arith.index_cast %scan3A_417 : i32 to index
        %get3A_419 = arith.constant 0 : index
        %get3A_420 = tpu.vector_load %arg12[%get3A, %get3A_419] {strides = array<i32>} : memref<80x128xf32, #tpu.memory_space<vmem>>, vector<1x16xf32>,
        %get3A_421 = vector.shape_cast %get3A_420 : vector<1x16xf32> to vector<16xf32>
        %get3A_422 = arith.index_cast %scan3A_417 : i32 to index
        %get3A_423 = arith.constant 0 : index
        %get3A_424 = tpu.vector_load %arg13[%get3A_422, %get3A_423] {strides = array<i32>} : memref<80x128xf32, #tpu.memory_space<vmem>>, vector<1x16xf32>,
        %get3A_425 = vector.shape_cast %get3A_424 : vector<1x16xf32> to vector<16xf32>
        %mul3A_426 = arith.mulf %get3A_421, %get3A_425 : vector<16xf32>
        %swap3A = arith.index_cast %scan3A_417 : i32 to index
        %swap3A_427 = arith.constant 0 : index
        %swap3A_428 = tpu.vector_load %arg12[%swap3A, %swap3A_427] {strides = array<i32>} : memref<80x128xf32, #tpu.memory_space<vmem>>, vector<1x16xf32>,
        %swap3A_429 = vector.shape_cast %swap3A_428 : vector<1x16xf32> to vector<16xf32>
        %swap3A_430 = vector.shape_cast %mul3A_426 : vector<16xf32> to vector<1x16xf32>
        tpu.vector_store %arg12[%swap3A, %swap3A_427], %swap3A_430 {strides = array<i32>} : memref<80x128xf32, #tpu.memory_space<vmem>>, vector<1x16xf32>,
        %get3A_431 = arith.index_cast %scan3A_417 : i32 to index
        %get3A_432 = arith.constant 16 : index
        %get3A_433 = tpu.vector_load %arg12[%get3A_431, %get3A_432] {strides = array<i32>} : memref<80x128xf32, #tpu.memory_space<vmem>>, vector<1x16xf32>,
        %get3A_434 = vector.shape_cast %get3A_433 : vector<1x16xf32> to vector<16xf32>
        %get3A_435 = arith.index_cast %scan3A_417 : i32 to index
        %get3A_436 = arith.constant 16 : index
        %get3A_437 = tpu.vector_load %arg13[%get3A_435, %get3A_436] {strides = array<i32>} : memref<80x128xf32, #tpu.memory_space<vmem>>, vector<1x16xf32>,
        %get3A_438 = vector.shape_cast %get3A_437 : vector<1x16xf32> to vector<16xf32>
        %mul3A_439 = arith.mulf %get3A_434, %get3A_438 : vector<16xf32>
        %swap3A_440 = arith.index_cast %scan3A_417 : i32 to index
        %swap3A_441 = arith.constant 16 : index
        %swap3A_442 = tpu.vector_load %arg12[%swap3A_440, %swap3A_441] {strides = array<i32>} : memref<80x128xf32, #tpu.memory_space<vmem>>, vector<1x16xf32>,
        %swap3A_443 = vector.shape_cast %swap3A_442 : vector<1x16xf32> to vector<16xf32>
        %swap3A_444 = vector.shape_cast %mul3A_439 : vector<16xf32> to vector<1x16xf32>
        tpu.vector_store %arg12[%swap3A_440, %swap3A_441], %swap3A_444 {strides = array<i32>} : memref<80x128xf32, #tpu.memory_space<vmem>>, vector<1x16xf32>,
        %get3A_445 = arith.index_cast %scan3A_417 : i32 to index
        %get3A_446 = arith.constant 32 : index
        %get3A_447 = tpu.vector_load %arg12[%get3A_445, %get3A_446] {strides = array<i32>} : memref<80x128xf32, #tpu.memory_space<vmem>>, vector<1x16xf32>,
        %get3A_448 = vector.shape_cast %get3A_447 : vector<1x16xf32> to vector<16xf32>
        %get3A_449 = arith.index_cast %scan3A_417 : i32 to index
        %get3A_450 = arith.constant 32 : index
        %get3A_451 = tpu.vector_load %arg13[%get3A_449, %get3A_450] {strides = array<i32>} : memref<80x128xf32, #tpu.memory_space<vmem>>, vector<1x16xf32>,
        %get3A_452 = vector.shape_cast %get3A_451 : vector<1x16xf32> to vector<16xf32>
        %mul3A_453 = arith.mulf %get3A_448, %get3A_452 : vector<16xf32>
        %swap3A_454 = arith.index_cast %scan3A_417 : i32 to index
        %swap3A_455 = arith.constant 32 : index
        %swap3A_456 = tpu.vector_load %arg12[%swap3A_454, %swap3A_455] {strides = array<i32>} : memref<80x128xf32, #tpu.memory_space<vmem>>, vector<1x16xf32>,
        %swap3A_457 = vector.shape_cast %swap3A_456 : vector<1x16xf32> to vector<16xf32>
        %swap3A_458 = vector.shape_cast %mul3A_453 : vector<16xf32> to vector<1x16xf32>
        tpu.vector_store %arg12[%swap3A_454, %swap3A_455], %swap3A_458 {strides = array<i32>} : memref<80x128xf32, #tpu.memory_space<vmem>>, vector<1x16xf32>,
        %get3A_459 = arith.index_cast %scan3A_417 : i32 to index
        %get3A_460 = arith.constant 48 : index
        %get3A_461 = tpu.vector_load %arg12[%get3A_459, %get3A_460] {strides = array<i32>} : memref<80x128xf32, #tpu.memory_space<vmem>>, vector<1x16xf32>,
        %get3A_462 = vector.shape_cast %get3A_461 : vector<1x16xf32> to vector<16xf32>
        %get3A_463 = arith.index_cast %scan3A_417 : i32 to index
        %get3A_464 = arith.constant 48 : index
        %get3A_465 = tpu.vector_load %arg13[%get3A_463, %get3A_464] {strides = array<i32>} : memref<80x128xf32, #tpu.memory_space<vmem>>, vector<1x16xf32>,
        %get3A_466 = vector.shape_cast %get3A_465 : vector<1x16xf32> to vector<16xf32>
        %mul3A_467 = arith.mulf %get3A_462, %get3A_466 : vector<16xf32>
        %swap3A_468 = arith.index_cast %scan3A_417 : i32 to index
        %swap3A_469 = arith.constant 48 : index
        %swap3A_470 = tpu.vector_load %arg12[%swap3A_468, %swap3A_469] {strides = array<i32>} : memref<80x128xf32, #tpu.memory_space<vmem>>, vector<1x16xf32>,
        %swap3A_471 = vector.shape_cast %swap3A_470 : vector<1x16xf32> to vector<16xf32>
        %swap3A_472 = vector.shape_cast %mul3A_467 : vector<16xf32> to vector<1x16xf32>
        tpu.vector_store %arg12[%swap3A_468, %swap3A_469], %swap3A_472 {strides = array<i32>} : memref<80x128xf32, #tpu.memory_space<vmem>>, vector<1x16xf32>,
        %get3A_473 = arith.index_cast %scan3A_417 : i32 to index
        %get3A_474 = arith.constant 64 : index
        %get3A_475 = tpu.vector_load %arg12[%get3A_473, %get3A_474] {strides = array<i32>} : memref<80x128xf32, #tpu.memory_space<vmem>>, vector<1x16xf32>,
        %get3A_476 = vector.shape_cast %get3A_475 : vector<1x16xf32> to vector<16xf32>
        %get3A_477 = arith.index_cast %scan3A_417 : i32 to index
        %get3A_478 = arith.constant 64 : index
        %get3A_479 = tpu.vector_load %arg13[%get3A_477, %get3A_478] {strides = array<i32>} : memref<80x128xf32, #tpu.memory_space<vmem>>, vector<1x16xf32>,
        %get3A_480 = vector.shape_cast %get3A_479 : vector<1x16xf32> to vector<16xf32>
        %mul3A_481 = arith.mulf %get3A_476, %get3A_480 : vector<16xf32>
        %swap3A_482 = arith.index_cast %scan3A_417 : i32 to index
        %swap3A_483 = arith.constant 64 : index
        %swap3A_484 = tpu.vector_load %arg12[%swap3A_482, %swap3A_483] {strides = array<i32>} : memref<80x128xf32, #tpu.memory_space<vmem>>, vector<1x16xf32>,
        %swap3A_485 = vector.shape_cast %swap3A_484 : vector<1x16xf32> to vector<16xf32>
        %swap3A_486 = vector.shape_cast %mul3A_481 : vector<16xf32> to vector<1x16xf32>
        tpu.vector_store %arg12[%swap3A_482, %swap3A_483], %swap3A_486 {strides = array<i32>} : memref<80x128xf32, #tpu.memory_space<vmem>>, vector<1x16xf32>,
        %get3A_487 = arith.index_cast %scan3A_417 : i32 to index
        %get3A_488 = arith.constant 80 : index
        %get3A_489 = tpu.vector_load %arg12[%get3A_487, %get3A_488] {strides = array<i32>} : memref<80x128xf32, #tpu.memory_space<vmem>>, vector<1x16xf32>,
        %get3A_490 = vector.shape_cast %get3A_489 : vector<1x16xf32> to vector<16xf32>
        %get3A_491 = arith.index_cast %scan3A_417 : i32 to index
        %get3A_492 = arith.constant 80 : index
        %get3A_493 = tpu.vector_load %arg13[%get3A_491, %get3A_492] {strides = array<i32>} : memref<80x128xf32, #tpu.memory_space<vmem>>, vector<1x16xf32>,
        %get3A_494 = vector.shape_cast %get3A_493 : vector<1x16xf32> to vector<16xf32>
        %mul3A_495 = arith.mulf %get3A_490, %get3A_494 : vector<16xf32>
        %swap3A_496 = arith.index_cast %scan3A_417 : i32 to index
        %swap3A_497 = arith.constant 80 : index
        %swap3A_498 = tpu.vector_load %arg12[%swap3A_496, %swap3A_497] {strides = array<i32>} : memref<80x128xf32, #tpu.memory_space<vmem>>, vector<1x16xf32>,
        %swap3A_499 = vector.shape_cast %swap3A_498 : vector<1x16xf32> to vector<16xf32>
        %swap3A_500 = vector.shape_cast %mul3A_495 : vector<16xf32> to vector<1x16xf32>
        tpu.vector_store %arg12[%swap3A_496, %swap3A_497], %swap3A_500 {strides = array<i32>} : memref<80x128xf32, #tpu.memory_space<vmem>>, vector<1x16xf32>,
        %get3A_501 = arith.index_cast %scan3A_417 : i32 to index
        %get3A_502 = arith.constant 96 : index
        %get3A_503 = tpu.vector_load %arg12[%get3A_501, %get3A_502] {strides = array<i32>} : memref<80x128xf32, #tpu.memory_space<vmem>>, vector<1x16xf32>,
        %get3A_504 = vector.shape_cast %get3A_503 : vector<1x16xf32> to vector<16xf32>
        %get3A_505 = arith.index_cast %scan3A_417 : i32 to index
        %get3A_506 = arith.constant 96 : index
        %get3A_507 = tpu.vector_load %arg13[%get3A_505, %get3A_506] {strides = array<i32>} : memref<80x128xf32, #tpu.memory_space<vmem>>, vector<1x16xf32>,
        %get3A_508 = vector.shape_cast %get3A_507 : vector<1x16xf32> to vector<16xf32>
        %mul3A_509 = arith.mulf %get3A_504, %get3A_508 : vector<16xf32>
        %swap3A_510 = arith.index_cast %scan3A_417 : i32 to index
        %swap3A_511 = arith.constant 96 : index
        %swap3A_512 = tpu.vector_load %arg12[%swap3A_510, %swap3A_511] {strides = array<i32>} : memref<80x128xf32, #tpu.memory_space<vmem>>, vector<1x16xf32>,
        %swap3A_513 = vector.shape_cast %swap3A_512 : vector<1x16xf32> to vector<16xf32>
        %swap3A_514 = vector.shape_cast %mul3A_509 : vector<16xf32> to vector<1x16xf32>
        tpu.vector_store %arg12[%swap3A_510, %swap3A_511], %swap3A_514 {strides = array<i32>} : memref<80x128xf32, #tpu.memory_space<vmem>>, vector<1x16xf32>,
        %get3A_515 = arith.index_cast %scan3A_417 : i32 to index
        %get3A_516 = arith.constant 112 : index
        %get3A_517 = tpu.vector_load %arg12[%get3A_515, %get3A_516] {strides = array<i32>} : memref<80x128xf32, #tpu.memory_space<vmem>>, vector<1x16xf32>,
        %get3A_518 = vector.shape_cast %get3A_517 : vector<1x16xf32> to vector<16xf32>
        %get3A_519 = arith.index_cast %scan3A_417 : i32 to index
        %get3A_520 = arith.constant 112 : index
        %get3A_521 = tpu.vector_load %arg13[%get3A_519, %get3A_520] {strides = array<i32>} : memref<80x128xf32, #tpu.memory_space<vmem>>, vector<1x16xf32>,
        %get3A_522 = vector.shape_cast %get3A_521 : vector<1x16xf32> to vector<16xf32>
        %mul3A_523 = arith.mulf %get3A_518, %get3A_522 : vector<16xf32>
        %swap3A_524 = arith.index_cast %scan3A_417 : i32 to index
        %swap3A_525 = arith.constant 112 : index
        %swap3A_526 = tpu.vector_load %arg12[%swap3A_524, %swap3A_525] {strides = array<i32>} : memref<80x128xf32, #tpu.memory_space<vmem>>, vector<1x16xf32>,
        %swap3A_527 = vector.shape_cast %swap3A_526 : vector<1x16xf32> to vector<16xf32>
        %swap3A_528 = vector.shape_cast %mul3A_523 : vector<16xf32> to vector<1x16xf32>
        tpu.vector_store %arg12[%swap3A_524, %swap3A_525], %swap3A_528 {strides = array<i32>} : memref<80x128xf32, #tpu.memory_space<vmem>>, vector<1x16xf32>,
        %scan3A_529 = arith.constant 0 : i32
        scf.yield %scan3A_529 : i32
      }
      %scan3A_338 = arith.constant 80 : i32
      %mul3A_339 = arith.constant 80 : i32
      %mul3A_340 = arith.muli %add3A_319, %mul3A_339 : i32
      %add3A_341 = arith.addi %mul3A_2, %mul3A_340 : i32
      %dma_start3A_342 = arith.constant 0 : i32
      %dma_start3A_343 = tpu.memref_slice %arg5[%add3A_341, %dma_start3A_342] : memref<320000x128xf32, #tpu.memory_space<hbm>> -> memref<80x128xf32, #tpu.memory_space<hbm>>
      %dma_start3A_344 = arith.constant 0 : i32
      %dma_start3A_345 = tpu.memref_slice %arg5[%add3A_341, %dma_start3A_344] : memref<320000x128xf32, #tpu.memory_space<hbm>> -> memref<80x128xf32, #tpu.memory_space<hbm>>
      tpu.enqueue_dma source(%arg12 : memref<80x128xf32, #tpu.memory_space<vmem>>) target(%dma_start3A_345 : memref<80x128xf32, #tpu.memory_space<hbm>>) target_semaphore(%arg26 : memref<!tpu.dma_semaphore, #tpu.memory_space<semaphore_mem>>)
      %dma_wait3A_346 = arith.constant 0 : i32
      %dma_wait3A_347 = arith.constant 0 : i32
      %dma_wait3A_348 = tpu.memref_slice %arg5[%dma_wait3A_346, %dma_wait3A_347] : memref<320000x128xf32, #tpu.memory_space<hbm>> -> memref<80x128xf32, #tpu.memory_space<hbm>>
      %dma_wait3A_349 = arith.constant 0 : i32
      %dma_wait3A_350 = arith.constant 0 : i32
      %dma_wait3A_351 = tpu.memref_slice %arg5[%dma_wait3A_349, %dma_wait3A_350] : memref<320000x128xf32, #tpu.memory_space<hbm>> -> memref<80x128xf32, #tpu.memory_space<hbm>>
      tpu.wait_dma2 semaphore(%arg25 : memref<!tpu.dma_semaphore, #tpu.memory_space<semaphore_mem>>) src(%dma_wait3A_351 : memref<80x128xf32, #tpu.memory_space<hbm>>) dst(%arg10 : memref<80x128xf32, #tpu.memory_space<vmem>>)
      %add3A_352 = arith.constant 3 : i32
      %add3A_353 = arith.addi %add3A_319, %add3A_352 : i32
      %mul3A_354 = arith.constant 80 : i32
      %mul3A_355 = arith.muli %add3A_353, %mul3A_354 : i32
      %dma_start3A_356 = tpu.memref_slice %arg6[%mul3A_355] : memref<10000xi32, #tpu.memory_space<vmem>> -> memref<80xi32, #tpu.memory_space<vmem>>
      %dma_start3A_357 = arith.constant 0 : i32
      %dma_start3A_358 = arith.constant 0 : i32
      %dma_start3A_359 = tpu.memref_slice %arg2[%dma_start3A_357, %dma_start3A_358] : memref<10000x128xf32, #tpu.memory_space<hbm>> -> memref<10000x128xf32, #tpu.memory_space<hbm>>
      tpu.enqueue_indirect_dma source(%dma_start3A_359 : memref<10000x128xf32, #tpu.memory_space<hbm>>) target(%arg10 : memref<80x128xf32, #tpu.memory_space<vmem>>) offsets(%dma_start3A_356 : memref<80xi32, #tpu.memory_space<vmem>>) semaphore(%arg18 : memref<!tpu.dma_semaphore, #tpu.memory_space<semaphore_mem>>)
      %mul3A_360 = arith.constant 80 : i32
      %mul3A_361 = arith.muli %add3A_353, %mul3A_360 : i32
      %dma_start3A_362 = tpu.memref_slice %arg7[%mul3A_361] : memref<10000xi32, #tpu.memory_space<vmem>> -> memref<80xi32, #tpu.memory_space<vmem>>
      %dma_start3A_363 = arith.constant 0 : i32
      %dma_start3A_364 = arith.constant 0 : i32
      %dma_start3A_365 = tpu.memref_slice %arg2[%dma_start3A_363, %dma_start3A_364] : memref<10000x128xf32, #tpu.memory_space<hbm>> -> memref<10000x128xf32, #tpu.memory_space<hbm>>
      tpu.enqueue_indirect_dma source(%dma_start3A_365 : memref<10000x128xf32, #tpu.memory_space<hbm>>) target(%arg11 : memref<80x128xf32, #tpu.memory_space<vmem>>) offsets(%dma_start3A_362 : memref<80xi32, #tpu.memory_space<vmem>>) semaphore(%arg19 : memref<!tpu.dma_semaphore, #tpu.memory_space<semaphore_mem>>)
      %mul3A_366 = arith.constant 4 : i32
      %mul3A_367 = arith.muli %scan3A_218, %mul3A_366 : i32
      %add3A_368 = arith.constant 3 : i32
      %add3A_369 = arith.addi %mul3A_367, %add3A_368 : i32
      %dma_wait3A_370 = arith.constant 0 : i32
      %dma_wait3A_371 = arith.constant 0 : i32
      %dma_wait3A_372 = tpu.memref_slice %arg5[%dma_wait3A_370, %dma_wait3A_371] : memref<320000x128xf32, #tpu.memory_space<hbm>> -> memref<80x128xf32, #tpu.memory_space<hbm>>
      %dma_wait3A_373 = arith.constant 0 : i32
      %dma_wait3A_374 = arith.constant 0 : i32
      %dma_wait3A_375 = tpu.memref_slice %arg5[%dma_wait3A_373, %dma_wait3A_374] : memref<320000x128xf32, #tpu.memory_space<hbm>> -> memref<80x128xf32, #tpu.memory_space<hbm>>
      tpu.wait_dma2 semaphore(%arg22 : memref<!tpu.dma_semaphore, #tpu.memory_space<semaphore_mem>>) src(%dma_wait3A_375 : memref<80x128xf32, #tpu.memory_space<hbm>>) dst(%arg14 : memref<80x128xf32, #tpu.memory_space<vmem>>)
      %dma_wait3A_376 = arith.constant 0 : i32
      %dma_wait3A_377 = arith.constant 0 : i32
      %dma_wait3A_378 = tpu.memref_slice %arg5[%dma_wait3A_376, %dma_wait3A_377] : memref<320000x128xf32, #tpu.memory_space<hbm>> -> memref<80x128xf32, #tpu.memory_space<hbm>>
      %dma_wait3A_379 = arith.constant 0 : i32
      %dma_wait3A_380 = arith.constant 0 : i32
      %dma_wait3A_381 = tpu.memref_slice %arg5[%dma_wait3A_379, %dma_wait3A_380] : memref<320000x128xf32, #tpu.memory_space<hbm>> -> memref<80x128xf32, #tpu.memory_space<hbm>>
      tpu.wait_dma2 semaphore(%arg23 : memref<!tpu.dma_semaphore, #tpu.memory_space<semaphore_mem>>) src(%dma_wait3A_381 : memref<80x128xf32, #tpu.memory_space<hbm>>) dst(%arg15 : memref<80x128xf32, #tpu.memory_space<vmem>>)
      %scan3A_382 = arith.constant 0 : i32
      %scan3A_383 = arith.constant 0 : i32
      %scan3A_384 = arith.constant 80 : i32
      %scan3A_385 = arith.addi %scan3A_383, %scan3A_384 : i32
      %scan3A_386 = arith.constant 1 : i32
      %scan3A_387 = scf.for %scan3A_417 = %scan3A_383 to %scan3A_385 step %scan3A_386 iter_args(%scan3A_418 = %scan3A_382) -> (i32)  : i32 {
        %get3A = arith.index_cast %scan3A_417 : i32 to index
        %get3A_419 = arith.constant 0 : index
        %get3A_420 = tpu.vector_load %arg14[%get3A, %get3A_419] {strides = array<i32>} : memref<80x128xf32, #tpu.memory_space<vmem>>, vector<1x16xf32>,
        %get3A_421 = vector.shape_cast %get3A_420 : vector<1x16xf32> to vector<16xf32>
        %get3A_422 = arith.index_cast %scan3A_417 : i32 to index
        %get3A_423 = arith.constant 0 : index
        %get3A_424 = tpu.vector_load %arg15[%get3A_422, %get3A_423] {strides = array<i32>} : memref<80x128xf32, #tpu.memory_space<vmem>>, vector<1x16xf32>,
        %get3A_425 = vector.shape_cast %get3A_424 : vector<1x16xf32> to vector<16xf32>
        %mul3A_426 = arith.mulf %get3A_421, %get3A_425 : vector<16xf32>
        %swap3A = arith.index_cast %scan3A_417 : i32 to index
        %swap3A_427 = arith.constant 0 : index
        %swap3A_428 = tpu.vector_load %arg14[%swap3A, %swap3A_427] {strides = array<i32>} : memref<80x128xf32, #tpu.memory_space<vmem>>, vector<1x16xf32>,
        %swap3A_429 = vector.shape_cast %swap3A_428 : vector<1x16xf32> to vector<16xf32>
        %swap3A_430 = vector.shape_cast %mul3A_426 : vector<16xf32> to vector<1x16xf32>
        tpu.vector_store %arg14[%swap3A, %swap3A_427], %swap3A_430 {strides = array<i32>} : memref<80x128xf32, #tpu.memory_space<vmem>>, vector<1x16xf32>,
        %get3A_431 = arith.index_cast %scan3A_417 : i32 to index
        %get3A_432 = arith.constant 16 : index
        %get3A_433 = tpu.vector_load %arg14[%get3A_431, %get3A_432] {strides = array<i32>} : memref<80x128xf32, #tpu.memory_space<vmem>>, vector<1x16xf32>,
        %get3A_434 = vector.shape_cast %get3A_433 : vector<1x16xf32> to vector<16xf32>
        %get3A_435 = arith.index_cast %scan3A_417 : i32 to index
        %get3A_436 = arith.constant 16 : index
        %get3A_437 = tpu.vector_load %arg15[%get3A_435, %get3A_436] {strides = array<i32>} : memref<80x128xf32, #tpu.memory_space<vmem>>, vector<1x16xf32>,
        %get3A_438 = vector.shape_cast %get3A_437 : vector<1x16xf32> to vector<16xf32>
        %mul3A_439 = arith.mulf %get3A_434, %get3A_438 : vector<16xf32>
        %swap3A_440 = arith.index_cast %scan3A_417 : i32 to index
        %swap3A_441 = arith.constant 16 : index
        %swap3A_442 = tpu.vector_load %arg14[%swap3A_440, %swap3A_441] {strides = array<i32>} : memref<80x128xf32, #tpu.memory_space<vmem>>, vector<1x16xf32>,
        %swap3A_443 = vector.shape_cast %swap3A_442 : vector<1x16xf32> to vector<16xf32>
        %swap3A_444 = vector.shape_cast %mul3A_439 : vector<16xf32> to vector<1x16xf32>
        tpu.vector_store %arg14[%swap3A_440, %swap3A_441], %swap3A_444 {strides = array<i32>} : memref<80x128xf32, #tpu.memory_space<vmem>>, vector<1x16xf32>,
        %get3A_445 = arith.index_cast %scan3A_417 : i32 to index
        %get3A_446 = arith.constant 32 : index
        %get3A_447 = tpu.vector_load %arg14[%get3A_445, %get3A_446] {strides = array<i32>} : memref<80x128xf32, #tpu.memory_space<vmem>>, vector<1x16xf32>,
        %get3A_448 = vector.shape_cast %get3A_447 : vector<1x16xf32> to vector<16xf32>
        %get3A_449 = arith.index_cast %scan3A_417 : i32 to index
        %get3A_450 = arith.constant 32 : index
        %get3A_451 = tpu.vector_load %arg15[%get3A_449, %get3A_450] {strides = array<i32>} : memref<80x128xf32, #tpu.memory_space<vmem>>, vector<1x16xf32>,
        %get3A_452 = vector.shape_cast %get3A_451 : vector<1x16xf32> to vector<16xf32>
        %mul3A_453 = arith.mulf %get3A_448, %get3A_452 : vector<16xf32>
        %swap3A_454 = arith.index_cast %scan3A_417 : i32 to index
        %swap3A_455 = arith.constant 32 : index
        %swap3A_456 = tpu.vector_load %arg14[%swap3A_454, %swap3A_455] {strides = array<i32>} : memref<80x128xf32, #tpu.memory_space<vmem>>, vector<1x16xf32>,
        %swap3A_457 = vector.shape_cast %swap3A_456 : vector<1x16xf32> to vector<16xf32>
        %swap3A_458 = vector.shape_cast %mul3A_453 : vector<16xf32> to vector<1x16xf32>
        tpu.vector_store %arg14[%swap3A_454, %swap3A_455], %swap3A_458 {strides = array<i32>} : memref<80x128xf32, #tpu.memory_space<vmem>>, vector<1x16xf32>,
        %get3A_459 = arith.index_cast %scan3A_417 : i32 to index
        %get3A_460 = arith.constant 48 : index
        %get3A_461 = tpu.vector_load %arg14[%get3A_459, %get3A_460] {strides = array<i32>} : memref<80x128xf32, #tpu.memory_space<vmem>>, vector<1x16xf32>,
        %get3A_462 = vector.shape_cast %get3A_461 : vector<1x16xf32> to vector<16xf32>
        %get3A_463 = arith.index_cast %scan3A_417 : i32 to index
        %get3A_464 = arith.constant 48 : index
        %get3A_465 = tpu.vector_load %arg15[%get3A_463, %get3A_464] {strides = array<i32>} : memref<80x128xf32, #tpu.memory_space<vmem>>, vector<1x16xf32>,
        %get3A_466 = vector.shape_cast %get3A_465 : vector<1x16xf32> to vector<16xf32>
        %mul3A_467 = arith.mulf %get3A_462, %get3A_466 : vector<16xf32>
        %swap3A_468 = arith.index_cast %scan3A_417 : i32 to index
        %swap3A_469 = arith.constant 48 : index
        %swap3A_470 = tpu.vector_load %arg14[%swap3A_468, %swap3A_469] {strides = array<i32>} : memref<80x128xf32, #tpu.memory_space<vmem>>, vector<1x16xf32>,
        %swap3A_471 = vector.shape_cast %swap3A_470 : vector<1x16xf32> to vector<16xf32>
        %swap3A_472 = vector.shape_cast %mul3A_467 : vector<16xf32> to vector<1x16xf32>
        tpu.vector_store %arg14[%swap3A_468, %swap3A_469], %swap3A_472 {strides = array<i32>} : memref<80x128xf32, #tpu.memory_space<vmem>>, vector<1x16xf32>,
        %get3A_473 = arith.index_cast %scan3A_417 : i32 to index
        %get3A_474 = arith.constant 64 : index
        %get3A_475 = tpu.vector_load %arg14[%get3A_473, %get3A_474] {strides = array<i32>} : memref<80x128xf32, #tpu.memory_space<vmem>>, vector<1x16xf32>,
        %get3A_476 = vector.shape_cast %get3A_475 : vector<1x16xf32> to vector<16xf32>
        %get3A_477 = arith.index_cast %scan3A_417 : i32 to index
        %get3A_478 = arith.constant 64 : index
        %get3A_479 = tpu.vector_load %arg15[%get3A_477, %get3A_478] {strides = array<i32>} : memref<80x128xf32, #tpu.memory_space<vmem>>, vector<1x16xf32>,
        %get3A_480 = vector.shape_cast %get3A_479 : vector<1x16xf32> to vector<16xf32>
        %mul3A_481 = arith.mulf %get3A_476, %get3A_480 : vector<16xf32>
        %swap3A_482 = arith.index_cast %scan3A_417 : i32 to index
        %swap3A_483 = arith.constant 64 : index
        %swap3A_484 = tpu.vector_load %arg14[%swap3A_482, %swap3A_483] {strides = array<i32>} : memref<80x128xf32, #tpu.memory_space<vmem>>, vector<1x16xf32>,
        %swap3A_485 = vector.shape_cast %swap3A_484 : vector<1x16xf32> to vector<16xf32>
        %swap3A_486 = vector.shape_cast %mul3A_481 : vector<16xf32> to vector<1x16xf32>
        tpu.vector_store %arg14[%swap3A_482, %swap3A_483], %swap3A_486 {strides = array<i32>} : memref<80x128xf32, #tpu.memory_space<vmem>>, vector<1x16xf32>,
        %get3A_487 = arith.index_cast %scan3A_417 : i32 to index
        %get3A_488 = arith.constant 80 : index
        %get3A_489 = tpu.vector_load %arg14[%get3A_487, %get3A_488] {strides = array<i32>} : memref<80x128xf32, #tpu.memory_space<vmem>>, vector<1x16xf32>,
        %get3A_490 = vector.shape_cast %get3A_489 : vector<1x16xf32> to vector<16xf32>
        %get3A_491 = arith.index_cast %scan3A_417 : i32 to index
        %get3A_492 = arith.constant 80 : index
        %get3A_493 = tpu.vector_load %arg15[%get3A_491, %get3A_492] {strides = array<i32>} : memref<80x128xf32, #tpu.memory_space<vmem>>, vector<1x16xf32>,
        %get3A_494 = vector.shape_cast %get3A_493 : vector<1x16xf32> to vector<16xf32>
        %mul3A_495 = arith.mulf %get3A_490, %get3A_494 : vector<16xf32>
        %swap3A_496 = arith.index_cast %scan3A_417 : i32 to index
        %swap3A_497 = arith.constant 80 : index
        %swap3A_498 = tpu.vector_load %arg14[%swap3A_496, %swap3A_497] {strides = array<i32>} : memref<80x128xf32, #tpu.memory_space<vmem>>, vector<1x16xf32>,
        %swap3A_499 = vector.shape_cast %swap3A_498 : vector<1x16xf32> to vector<16xf32>
        %swap3A_500 = vector.shape_cast %mul3A_495 : vector<16xf32> to vector<1x16xf32>
        tpu.vector_store %arg14[%swap3A_496, %swap3A_497], %swap3A_500 {strides = array<i32>} : memref<80x128xf32, #tpu.memory_space<vmem>>, vector<1x16xf32>,
        %get3A_501 = arith.index_cast %scan3A_417 : i32 to index
        %get3A_502 = arith.constant 96 : index
        %get3A_503 = tpu.vector_load %arg14[%get3A_501, %get3A_502] {strides = array<i32>} : memref<80x128xf32, #tpu.memory_space<vmem>>, vector<1x16xf32>,
        %get3A_504 = vector.shape_cast %get3A_503 : vector<1x16xf32> to vector<16xf32>
        %get3A_505 = arith.index_cast %scan3A_417 : i32 to index
        %get3A_506 = arith.constant 96 : index
        %get3A_507 = tpu.vector_load %arg15[%get3A_505, %get3A_506] {strides = array<i32>} : memref<80x128xf32, #tpu.memory_space<vmem>>, vector<1x16xf32>,
        %get3A_508 = vector.shape_cast %get3A_507 : vector<1x16xf32> to vector<16xf32>
        %mul3A_509 = arith.mulf %get3A_504, %get3A_508 : vector<16xf32>
        %swap3A_510 = arith.index_cast %scan3A_417 : i32 to index
        %swap3A_511 = arith.constant 96 : index
        %swap3A_512 = tpu.vector_load %arg14[%swap3A_510, %swap3A_511] {strides = array<i32>} : memref<80x128xf32, #tpu.memory_space<vmem>>, vector<1x16xf32>,
        %swap3A_513 = vector.shape_cast %swap3A_512 : vector<1x16xf32> to vector<16xf32>
        %swap3A_514 = vector.shape_cast %mul3A_509 : vector<16xf32> to vector<1x16xf32>
        tpu.vector_store %arg14[%swap3A_510, %swap3A_511], %swap3A_514 {strides = array<i32>} : memref<80x128xf32, #tpu.memory_space<vmem>>, vector<1x16xf32>,
        %get3A_515 = arith.index_cast %scan3A_417 : i32 to index
        %get3A_516 = arith.constant 112 : index
        %get3A_517 = tpu.vector_load %arg14[%get3A_515, %get3A_516] {strides = array<i32>} : memref<80x128xf32, #tpu.memory_space<vmem>>, vector<1x16xf32>,
        %get3A_518 = vector.shape_cast %get3A_517 : vector<1x16xf32> to vector<16xf32>
        %get3A_519 = arith.index_cast %scan3A_417 : i32 to index
        %get3A_520 = arith.constant 112 : index
        %get3A_521 = tpu.vector_load %arg15[%get3A_519, %get3A_520] {strides = array<i32>} : memref<80x128xf32, #tpu.memory_space<vmem>>, vector<1x16xf32>,
        %get3A_522 = vector.shape_cast %get3A_521 : vector<1x16xf32> to vector<16xf32>
        %mul3A_523 = arith.mulf %get3A_518, %get3A_522 : vector<16xf32>
        %swap3A_524 = arith.index_cast %scan3A_417 : i32 to index
        %swap3A_525 = arith.constant 112 : index
        %swap3A_526 = tpu.vector_load %arg14[%swap3A_524, %swap3A_525] {strides = array<i32>} : memref<80x128xf32, #tpu.memory_space<vmem>>, vector<1x16xf32>,
        %swap3A_527 = vector.shape_cast %swap3A_526 : vector<1x16xf32> to vector<16xf32>
        %swap3A_528 = vector.shape_cast %mul3A_523 : vector<16xf32> to vector<1x16xf32>
        tpu.vector_store %arg14[%swap3A_524, %swap3A_525], %swap3A_528 {strides = array<i32>} : memref<80x128xf32, #tpu.memory_space<vmem>>, vector<1x16xf32>,
        %scan3A_529 = arith.constant 0 : i32
        scf.yield %scan3A_529 : i32
      }
      %scan3A_388 = arith.constant 80 : i32
      %mul3A_389 = arith.constant 80 : i32
      %mul3A_390 = arith.muli %add3A_369, %mul3A_389 : i32
      %add3A_391 = arith.addi %mul3A_2, %mul3A_390 : i32
      %dma_start3A_392 = arith.constant 0 : i32
      %dma_start3A_393 = tpu.memref_slice %arg5[%add3A_391, %dma_start3A_392] : memref<320000x128xf32, #tpu.memory_space<hbm>> -> memref<80x128xf32, #tpu.memory_space<hbm>>
      %dma_start3A_394 = arith.constant 0 : i32
      %dma_start3A_395 = tpu.memref_slice %arg5[%add3A_391, %dma_start3A_394] : memref<320000x128xf32, #tpu.memory_space<hbm>> -> memref<80x128xf32, #tpu.memory_space<hbm>>
      tpu.enqueue_dma source(%arg14 : memref<80x128xf32, #tpu.memory_space<vmem>>) target(%dma_start3A_395 : memref<80x128xf32, #tpu.memory_space<hbm>>) target_semaphore(%arg27 : memref<!tpu.dma_semaphore, #tpu.memory_space<semaphore_mem>>)
      %dma_wait3A_396 = arith.constant 0 : i32
      %dma_wait3A_397 = arith.constant 0 : i32
      %dma_wait3A_398 = tpu.memref_slice %arg5[%dma_wait3A_396, %dma_wait3A_397] : memref<320000x128xf32, #tpu.memory_space<hbm>> -> memref<80x128xf32, #tpu.memory_space<hbm>>
      %dma_wait3A_399 = arith.constant 0 : i32
      %dma_wait3A_400 = arith.constant 0 : i32
      %dma_wait3A_401 = tpu.memref_slice %arg5[%dma_wait3A_399, %dma_wait3A_400] : memref<320000x128xf32, #tpu.memory_space<hbm>> -> memref<80x128xf32, #tpu.memory_space<hbm>>
      tpu.wait_dma2 semaphore(%arg26 : memref<!tpu.dma_semaphore, #tpu.memory_space<semaphore_mem>>) src(%dma_wait3A_401 : memref<80x128xf32, #tpu.memory_space<hbm>>) dst(%arg12 : memref<80x128xf32, #tpu.memory_space<vmem>>)
      %add3A_402 = arith.constant 3 : i32
      %add3A_403 = arith.addi %add3A_369, %add3A_402 : i32
      %mul3A_404 = arith.constant 80 : i32
      %mul3A_405 = arith.muli %add3A_403, %mul3A_404 : i32
      %dma_start3A_406 = tpu.memref_slice %arg6[%mul3A_405] : memref<10000xi32, #tpu.memory_space<vmem>> -> memref<80xi32, #tpu.memory_space<vmem>>
      %dma_start3A_407 = arith.constant 0 : i32
      %dma_start3A_408 = arith.constant 0 : i32
      %dma_start3A_409 = tpu.memref_slice %arg2[%dma_start3A_407, %dma_start3A_408] : memref<10000x128xf32, #tpu.memory_space<hbm>> -> memref<10000x128xf32, #tpu.memory_space<hbm>>
      tpu.enqueue_indirect_dma source(%dma_start3A_409 : memref<10000x128xf32, #tpu.memory_space<hbm>>) target(%arg12 : memref<80x128xf32, #tpu.memory_space<vmem>>) offsets(%dma_start3A_406 : memref<80xi32, #tpu.memory_space<vmem>>) semaphore(%arg20 : memref<!tpu.dma_semaphore, #tpu.memory_space<semaphore_mem>>)
      %mul3A_410 = arith.constant 80 : i32
      %mul3A_411 = arith.muli %add3A_403, %mul3A_410 : i32
      %dma_start3A_412 = tpu.memref_slice %arg7[%mul3A_411] : memref<10000xi32, #tpu.memory_space<vmem>> -> memref<80xi32, #tpu.memory_space<vmem>>
      %dma_start3A_413 = arith.constant 0 : i32
      %dma_start3A_414 = arith.constant 0 : i32
      %dma_start3A_415 = tpu.memref_slice %arg2[%dma_start3A_413, %dma_start3A_414] : memref<10000x128xf32, #tpu.memory_space<hbm>> -> memref<10000x128xf32, #tpu.memory_space<hbm>>
      tpu.enqueue_indirect_dma source(%dma_start3A_415 : memref<10000x128xf32, #tpu.memory_space<hbm>>) target(%arg13 : memref<80x128xf32, #tpu.memory_space<vmem>>) offsets(%dma_start3A_412 : memref<80xi32, #tpu.memory_space<vmem>>) semaphore(%arg21 : memref<!tpu.dma_semaphore, #tpu.memory_space<semaphore_mem>>)
      %scan3A_416 = arith.constant 0 : i32
      scf.yield %scan3A_416 : i32
    }
    %scan3A_37 = arith.constant 30 : i32
    %dma_wait3A = arith.constant 0 : i32
    %dma_wait3A_38 = arith.constant 0 : i32
    %dma_wait3A_39 = tpu.memref_slice %arg5[%dma_wait3A, %dma_wait3A_38] : memref<320000x128xf32, #tpu.memory_space<hbm>> -> memref<80x128xf32, #tpu.memory_space<hbm>>
    %dma_wait3A_40 = arith.constant 0 : i32
    %dma_wait3A_41 = arith.constant 0 : i32
    %dma_wait3A_42 = tpu.memref_slice %arg5[%dma_wait3A_40, %dma_wait3A_41] : memref<320000x128xf32, #tpu.memory_space<hbm>> -> memref<80x128xf32, #tpu.memory_space<hbm>>
    tpu.wait_dma2 semaphore(%arg16 : memref<!tpu.dma_semaphore, #tpu.memory_space<semaphore_mem>>) src(%dma_wait3A_42 : memref<80x128xf32, #tpu.memory_space<hbm>>) dst(%arg8 : memref<80x128xf32, #tpu.memory_space<vmem>>)
    %dma_wait3A_43 = arith.constant 0 : i32
    %dma_wait3A_44 = arith.constant 0 : i32
    %dma_wait3A_45 = tpu.memref_slice %arg5[%dma_wait3A_43, %dma_wait3A_44] : memref<320000x128xf32, #tpu.memory_space<hbm>> -> memref<80x128xf32, #tpu.memory_space<hbm>>
    %dma_wait3A_46 = arith.constant 0 : i32
    %dma_wait3A_47 = arith.constant 0 : i32
    %dma_wait3A_48 = tpu.memref_slice %arg5[%dma_wait3A_46, %dma_wait3A_47] : memref<320000x128xf32, #tpu.memory_space<hbm>> -> memref<80x128xf32, #tpu.memory_space<hbm>>
    tpu.wait_dma2 semaphore(%arg17 : memref<!tpu.dma_semaphore, #tpu.memory_space<semaphore_mem>>) src(%dma_wait3A_48 : memref<80x128xf32, #tpu.memory_space<hbm>>) dst(%arg9 : memref<80x128xf32, #tpu.memory_space<vmem>>)
    %scan3A_49 = arith.constant 0 : i32
    %scan3A_50 = arith.constant 0 : i32
    %scan3A_51 = arith.constant 80 : i32
    %scan3A_52 = arith.addi %scan3A_50, %scan3A_51 : i32
    %scan3A_53 = arith.constant 1 : i32
    %scan3A_54 = scf.for %scan3A_218 = %scan3A_50 to %scan3A_52 step %scan3A_53 iter_args(%scan3A_219 = %scan3A_49) -> (i32)  : i32 {
      %get3A = arith.index_cast %scan3A_218 : i32 to index
      %get3A_220 = arith.constant 0 : index
      %get3A_221 = tpu.vector_load %arg8[%get3A, %get3A_220] {strides = array<i32>} : memref<80x128xf32, #tpu.memory_space<vmem>>, vector<1x16xf32>,
      %get3A_222 = vector.shape_cast %get3A_221 : vector<1x16xf32> to vector<16xf32>
      %get3A_223 = arith.index_cast %scan3A_218 : i32 to index
      %get3A_224 = arith.constant 0 : index
      %get3A_225 = tpu.vector_load %arg9[%get3A_223, %get3A_224] {strides = array<i32>} : memref<80x128xf32, #tpu.memory_space<vmem>>, vector<1x16xf32>,
      %get3A_226 = vector.shape_cast %get3A_225 : vector<1x16xf32> to vector<16xf32>
      %mul3A_227 = arith.mulf %get3A_222, %get3A_226 : vector<16xf32>
      %swap3A = arith.index_cast %scan3A_218 : i32 to index
      %swap3A_228 = arith.constant 0 : index
      %swap3A_229 = tpu.vector_load %arg8[%swap3A, %swap3A_228] {strides = array<i32>} : memref<80x128xf32, #tpu.memory_space<vmem>>, vector<1x16xf32>,
      %swap3A_230 = vector.shape_cast %swap3A_229 : vector<1x16xf32> to vector<16xf32>
      %swap3A_231 = vector.shape_cast %mul3A_227 : vector<16xf32> to vector<1x16xf32>
      tpu.vector_store %arg8[%swap3A, %swap3A_228], %swap3A_231 {strides = array<i32>} : memref<80x128xf32, #tpu.memory_space<vmem>>, vector<1x16xf32>,
      %get3A_232 = arith.index_cast %scan3A_218 : i32 to index
      %get3A_233 = arith.constant 16 : index
      %get3A_234 = tpu.vector_load %arg8[%get3A_232, %get3A_233] {strides = array<i32>} : memref<80x128xf32, #tpu.memory_space<vmem>>, vector<1x16xf32>,
      %get3A_235 = vector.shape_cast %get3A_234 : vector<1x16xf32> to vector<16xf32>
      %get3A_236 = arith.index_cast %scan3A_218 : i32 to index
      %get3A_237 = arith.constant 16 : index
      %get3A_238 = tpu.vector_load %arg9[%get3A_236, %get3A_237] {strides = array<i32>} : memref<80x128xf32, #tpu.memory_space<vmem>>, vector<1x16xf32>,
      %get3A_239 = vector.shape_cast %get3A_238 : vector<1x16xf32> to vector<16xf32>
      %mul3A_240 = arith.mulf %get3A_235, %get3A_239 : vector<16xf32>
      %swap3A_241 = arith.index_cast %scan3A_218 : i32 to index
      %swap3A_242 = arith.constant 16 : index
      %swap3A_243 = tpu.vector_load %arg8[%swap3A_241, %swap3A_242] {strides = array<i32>} : memref<80x128xf32, #tpu.memory_space<vmem>>, vector<1x16xf32>,
      %swap3A_244 = vector.shape_cast %swap3A_243 : vector<1x16xf32> to vector<16xf32>
      %swap3A_245 = vector.shape_cast %mul3A_240 : vector<16xf32> to vector<1x16xf32>
      tpu.vector_store %arg8[%swap3A_241, %swap3A_242], %swap3A_245 {strides = array<i32>} : memref<80x128xf32, #tpu.memory_space<vmem>>, vector<1x16xf32>,
      %get3A_246 = arith.index_cast %scan3A_218 : i32 to index
      %get3A_247 = arith.constant 32 : index
      %get3A_248 = tpu.vector_load %arg8[%get3A_246, %get3A_247] {strides = array<i32>} : memref<80x128xf32, #tpu.memory_space<vmem>>, vector<1x16xf32>,
      %get3A_249 = vector.shape_cast %get3A_248 : vector<1x16xf32> to vector<16xf32>
      %get3A_250 = arith.index_cast %scan3A_218 : i32 to index
      %get3A_251 = arith.constant 32 : index
      %get3A_252 = tpu.vector_load %arg9[%get3A_250, %get3A_251] {strides = array<i32>} : memref<80x128xf32, #tpu.memory_space<vmem>>, vector<1x16xf32>,
      %get3A_253 = vector.shape_cast %get3A_252 : vector<1x16xf32> to vector<16xf32>
      %mul3A_254 = arith.mulf %get3A_249, %get3A_253 : vector<16xf32>
      %swap3A_255 = arith.index_cast %scan3A_218 : i32 to index
      %swap3A_256 = arith.constant 32 : index
      %swap3A_257 = tpu.vector_load %arg8[%swap3A_255, %swap3A_256] {strides = array<i32>} : memref<80x128xf32, #tpu.memory_space<vmem>>, vector<1x16xf32>,
      %swap3A_258 = vector.shape_cast %swap3A_257 : vector<1x16xf32> to vector<16xf32>
      %swap3A_259 = vector.shape_cast %mul3A_254 : vector<16xf32> to vector<1x16xf32>
      tpu.vector_store %arg8[%swap3A_255, %swap3A_256], %swap3A_259 {strides = array<i32>} : memref<80x128xf32, #tpu.memory_space<vmem>>, vector<1x16xf32>,
      %get3A_260 = arith.index_cast %scan3A_218 : i32 to index
      %get3A_261 = arith.constant 48 : index
      %get3A_262 = tpu.vector_load %arg8[%get3A_260, %get3A_261] {strides = array<i32>} : memref<80x128xf32, #tpu.memory_space<vmem>>, vector<1x16xf32>,
      %get3A_263 = vector.shape_cast %get3A_262 : vector<1x16xf32> to vector<16xf32>
      %get3A_264 = arith.index_cast %scan3A_218 : i32 to index
      %get3A_265 = arith.constant 48 : index
      %get3A_266 = tpu.vector_load %arg9[%get3A_264, %get3A_265] {strides = array<i32>} : memref<80x128xf32, #tpu.memory_space<vmem>>, vector<1x16xf32>,
      %get3A_267 = vector.shape_cast %get3A_266 : vector<1x16xf32> to vector<16xf32>
      %mul3A_268 = arith.mulf %get3A_263, %get3A_267 : vector<16xf32>
      %swap3A_269 = arith.index_cast %scan3A_218 : i32 to index
      %swap3A_270 = arith.constant 48 : index
      %swap3A_271 = tpu.vector_load %arg8[%swap3A_269, %swap3A_270] {strides = array<i32>} : memref<80x128xf32, #tpu.memory_space<vmem>>, vector<1x16xf32>,
      %swap3A_272 = vector.shape_cast %swap3A_271 : vector<1x16xf32> to vector<16xf32>
      %swap3A_273 = vector.shape_cast %mul3A_268 : vector<16xf32> to vector<1x16xf32>
      tpu.vector_store %arg8[%swap3A_269, %swap3A_270], %swap3A_273 {strides = array<i32>} : memref<80x128xf32, #tpu.memory_space<vmem>>, vector<1x16xf32>,
      %get3A_274 = arith.index_cast %scan3A_218 : i32 to index
      %get3A_275 = arith.constant 64 : index
      %get3A_276 = tpu.vector_load %arg8[%get3A_274, %get3A_275] {strides = array<i32>} : memref<80x128xf32, #tpu.memory_space<vmem>>, vector<1x16xf32>,
      %get3A_277 = vector.shape_cast %get3A_276 : vector<1x16xf32> to vector<16xf32>
      %get3A_278 = arith.index_cast %scan3A_218 : i32 to index
      %get3A_279 = arith.constant 64 : index
      %get3A_280 = tpu.vector_load %arg9[%get3A_278, %get3A_279] {strides = array<i32>} : memref<80x128xf32, #tpu.memory_space<vmem>>, vector<1x16xf32>,
      %get3A_281 = vector.shape_cast %get3A_280 : vector<1x16xf32> to vector<16xf32>
      %mul3A_282 = arith.mulf %get3A_277, %get3A_281 : vector<16xf32>
      %swap3A_283 = arith.index_cast %scan3A_218 : i32 to index
      %swap3A_284 = arith.constant 64 : index
      %swap3A_285 = tpu.vector_load %arg8[%swap3A_283, %swap3A_284] {strides = array<i32>} : memref<80x128xf32, #tpu.memory_space<vmem>>, vector<1x16xf32>,
      %swap3A_286 = vector.shape_cast %swap3A_285 : vector<1x16xf32> to vector<16xf32>
      %swap3A_287 = vector.shape_cast %mul3A_282 : vector<16xf32> to vector<1x16xf32>
      tpu.vector_store %arg8[%swap3A_283, %swap3A_284], %swap3A_287 {strides = array<i32>} : memref<80x128xf32, #tpu.memory_space<vmem>>, vector<1x16xf32>,
      %get3A_288 = arith.index_cast %scan3A_218 : i32 to index
      %get3A_289 = arith.constant 80 : index
      %get3A_290 = tpu.vector_load %arg8[%get3A_288, %get3A_289] {strides = array<i32>} : memref<80x128xf32, #tpu.memory_space<vmem>>, vector<1x16xf32>,
      %get3A_291 = vector.shape_cast %get3A_290 : vector<1x16xf32> to vector<16xf32>
      %get3A_292 = arith.index_cast %scan3A_218 : i32 to index
      %get3A_293 = arith.constant 80 : index
      %get3A_294 = tpu.vector_load %arg9[%get3A_292, %get3A_293] {strides = array<i32>} : memref<80x128xf32, #tpu.memory_space<vmem>>, vector<1x16xf32>,
      %get3A_295 = vector.shape_cast %get3A_294 : vector<1x16xf32> to vector<16xf32>
      %mul3A_296 = arith.mulf %get3A_291, %get3A_295 : vector<16xf32>
      %swap3A_297 = arith.index_cast %scan3A_218 : i32 to index
      %swap3A_298 = arith.constant 80 : index
      %swap3A_299 = tpu.vector_load %arg8[%swap3A_297, %swap3A_298] {strides = array<i32>} : memref<80x128xf32, #tpu.memory_space<vmem>>, vector<1x16xf32>,
      %swap3A_300 = vector.shape_cast %swap3A_299 : vector<1x16xf32> to vector<16xf32>
      %swap3A_301 = vector.shape_cast %mul3A_296 : vector<16xf32> to vector<1x16xf32>
      tpu.vector_store %arg8[%swap3A_297, %swap3A_298], %swap3A_301 {strides = array<i32>} : memref<80x128xf32, #tpu.memory_space<vmem>>, vector<1x16xf32>,
      %get3A_302 = arith.index_cast %scan3A_218 : i32 to index
      %get3A_303 = arith.constant 96 : index
      %get3A_304 = tpu.vector_load %arg8[%get3A_302, %get3A_303] {strides = array<i32>} : memref<80x128xf32, #tpu.memory_space<vmem>>, vector<1x16xf32>,
      %get3A_305 = vector.shape_cast %get3A_304 : vector<1x16xf32> to vector<16xf32>
      %get3A_306 = arith.index_cast %scan3A_218 : i32 to index
      %get3A_307 = arith.constant 96 : index
      %get3A_308 = tpu.vector_load %arg9[%get3A_306, %get3A_307] {strides = array<i32>} : memref<80x128xf32, #tpu.memory_space<vmem>>, vector<1x16xf32>,
      %get3A_309 = vector.shape_cast %get3A_308 : vector<1x16xf32> to vector<16xf32>
      %mul3A_310 = arith.mulf %get3A_305, %get3A_309 : vector<16xf32>
      %swap3A_311 = arith.index_cast %scan3A_218 : i32 to index
      %swap3A_312 = arith.constant 96 : index
      %swap3A_313 = tpu.vector_load %arg8[%swap3A_311, %swap3A_312] {strides = array<i32>} : memref<80x128xf32, #tpu.memory_space<vmem>>, vector<1x16xf32>,
      %swap3A_314 = vector.shape_cast %swap3A_313 : vector<1x16xf32> to vector<16xf32>
      %swap3A_315 = vector.shape_cast %mul3A_310 : vector<16xf32> to vector<1x16xf32>
      tpu.vector_store %arg8[%swap3A_311, %swap3A_312], %swap3A_315 {strides = array<i32>} : memref<80x128xf32, #tpu.memory_space<vmem>>, vector<1x16xf32>,
      %get3A_316 = arith.index_cast %scan3A_218 : i32 to index
      %get3A_317 = arith.constant 112 : index
      %get3A_318 = tpu.vector_load %arg8[%get3A_316, %get3A_317] {strides = array<i32>} : memref<80x128xf32, #tpu.memory_space<vmem>>, vector<1x16xf32>,
      %get3A_319 = vector.shape_cast %get3A_318 : vector<1x16xf32> to vector<16xf32>
      %get3A_320 = arith.index_cast %scan3A_218 : i32 to index
      %get3A_321 = arith.constant 112 : index
      %get3A_322 = tpu.vector_load %arg9[%get3A_320, %get3A_321] {strides = array<i32>} : memref<80x128xf32, #tpu.memory_space<vmem>>, vector<1x16xf32>,
      %get3A_323 = vector.shape_cast %get3A_322 : vector<1x16xf32> to vector<16xf32>
      %mul3A_324 = arith.mulf %get3A_319, %get3A_323 : vector<16xf32>
      %swap3A_325 = arith.index_cast %scan3A_218 : i32 to index
      %swap3A_326 = arith.constant 112 : index
      %swap3A_327 = tpu.vector_load %arg8[%swap3A_325, %swap3A_326] {strides = array<i32>} : memref<80x128xf32, #tpu.memory_space<vmem>>, vector<1x16xf32>,
      %swap3A_328 = vector.shape_cast %swap3A_327 : vector<1x16xf32> to vector<16xf32>
      %swap3A_329 = vector.shape_cast %mul3A_324 : vector<16xf32> to vector<1x16xf32>
      tpu.vector_store %arg8[%swap3A_325, %swap3A_326], %swap3A_329 {strides = array<i32>} : memref<80x128xf32, #tpu.memory_space<vmem>>, vector<1x16xf32>,
      %scan3A_330 = arith.constant 0 : i32
      scf.yield %scan3A_330 : i32
    }
    %scan3A_55 = arith.constant 80 : i32
    %add3A_56 = arith.constant 9600 : i32
    %add3A_57 = arith.addi %mul3A_2, %add3A_56 : i32
    %dma_start3A_58 = arith.constant 0 : i32
    %dma_start3A_59 = tpu.memref_slice %arg5[%add3A_57, %dma_start3A_58] : memref<320000x128xf32, #tpu.memory_space<hbm>> -> memref<80x128xf32, #tpu.memory_space<hbm>>
    %dma_start3A_60 = arith.constant 0 : i32
    %dma_start3A_61 = tpu.memref_slice %arg5[%add3A_57, %dma_start3A_60] : memref<320000x128xf32, #tpu.memory_space<hbm>> -> memref<80x128xf32, #tpu.memory_space<hbm>>
    tpu.enqueue_dma source(%arg8 : memref<80x128xf32, #tpu.memory_space<vmem>>) target(%dma_start3A_61 : memref<80x128xf32, #tpu.memory_space<hbm>>) target_semaphore(%arg24 : memref<!tpu.dma_semaphore, #tpu.memory_space<semaphore_mem>>)
    %dma_wait3A_62 = arith.constant 0 : i32
    %dma_wait3A_63 = arith.constant 0 : i32
    %dma_wait3A_64 = tpu.memref_slice %arg5[%dma_wait3A_62, %dma_wait3A_63] : memref<320000x128xf32, #tpu.memory_space<hbm>> -> memref<80x128xf32, #tpu.memory_space<hbm>>
    %dma_wait3A_65 = arith.constant 0 : i32
    %dma_wait3A_66 = arith.constant 0 : i32
    %dma_wait3A_67 = tpu.memref_slice %arg5[%dma_wait3A_65, %dma_wait3A_66] : memref<320000x128xf32, #tpu.memory_space<hbm>> -> memref<80x128xf32, #tpu.memory_space<hbm>>
    tpu.wait_dma2 semaphore(%arg27 : memref<!tpu.dma_semaphore, #tpu.memory_space<semaphore_mem>>) src(%dma_wait3A_67 : memref<80x128xf32, #tpu.memory_space<hbm>>) dst(%arg14 : memref<80x128xf32, #tpu.memory_space<vmem>>)
    %dma_start3A_68 = arith.constant 9840 : i32
    %dma_start3A_69 = tpu.memref_slice %arg6[%dma_start3A_68] : memref<10000xi32, #tpu.memory_space<vmem>> -> memref<80xi32, #tpu.memory_space<vmem>>
    %dma_start3A_70 = arith.constant 0 : i32
    %dma_start3A_71 = arith.constant 0 : i32
    %dma_start3A_72 = tpu.memref_slice %arg2[%dma_start3A_70, %dma_start3A_71] : memref<10000x128xf32, #tpu.memory_space<hbm>> -> memref<10000x128xf32, #tpu.memory_space<hbm>>
    tpu.enqueue_indirect_dma source(%dma_start3A_72 : memref<10000x128xf32, #tpu.memory_space<hbm>>) target(%arg14 : memref<80x128xf32, #tpu.memory_space<vmem>>) offsets(%dma_start3A_69 : memref<80xi32, #tpu.memory_space<vmem>>) semaphore(%arg22 : memref<!tpu.dma_semaphore, #tpu.memory_space<semaphore_mem>>)
    %dma_start3A_73 = arith.constant 9840 : i32
    %dma_start3A_74 = tpu.memref_slice %arg7[%dma_start3A_73] : memref<10000xi32, #tpu.memory_space<vmem>> -> memref<80xi32, #tpu.memory_space<vmem>>
    %dma_start3A_75 = arith.constant 0 : i32
    %dma_start3A_76 = arith.constant 0 : i32
    %dma_start3A_77 = tpu.memref_slice %arg2[%dma_start3A_75, %dma_start3A_76] : memref<10000x128xf32, #tpu.memory_space<hbm>> -> memref<10000x128xf32, #tpu.memory_space<hbm>>
    tpu.enqueue_indirect_dma source(%dma_start3A_77 : memref<10000x128xf32, #tpu.memory_space<hbm>>) target(%arg15 : memref<80x128xf32, #tpu.memory_space<vmem>>) offsets(%dma_start3A_74 : memref<80xi32, #tpu.memory_space<vmem>>) semaphore(%arg23 : memref<!tpu.dma_semaphore, #tpu.memory_space<semaphore_mem>>)
    %dma_wait3A_78 = arith.constant 0 : i32
    %dma_wait3A_79 = arith.constant 0 : i32
    %dma_wait3A_80 = tpu.memref_slice %arg5[%dma_wait3A_78, %dma_wait3A_79] : memref<320000x128xf32, #tpu.memory_space<hbm>> -> memref<80x128xf32, #tpu.memory_space<hbm>>
    %dma_wait3A_81 = arith.constant 0 : i32
    %dma_wait3A_82 = arith.constant 0 : i32
    %dma_wait3A_83 = tpu.memref_slice %arg5[%dma_wait3A_81, %dma_wait3A_82] : memref<320000x128xf32, #tpu.memory_space<hbm>> -> memref<80x128xf32, #tpu.memory_space<hbm>>
    tpu.wait_dma2 semaphore(%arg18 : memref<!tpu.dma_semaphore, #tpu.memory_space<semaphore_mem>>) src(%dma_wait3A_83 : memref<80x128xf32, #tpu.memory_space<hbm>>) dst(%arg10 : memref<80x128xf32, #tpu.memory_space<vmem>>)
    %dma_wait3A_84 = arith.constant 0 : i32
    %dma_wait3A_85 = arith.constant 0 : i32
    %dma_wait3A_86 = tpu.memref_slice %arg5[%dma_wait3A_84, %dma_wait3A_85] : memref<320000x128xf32, #tpu.memory_space<hbm>> -> memref<80x128xf32, #tpu.memory_space<hbm>>
    %dma_wait3A_87 = arith.constant 0 : i32
    %dma_wait3A_88 = arith.constant 0 : i32
    %dma_wait3A_89 = tpu.memref_slice %arg5[%dma_wait3A_87, %dma_wait3A_88] : memref<320000x128xf32, #tpu.memory_space<hbm>> -> memref<80x128xf32, #tpu.memory_space<hbm>>
    tpu.wait_dma2 semaphore(%arg19 : memref<!tpu.dma_semaphore, #tpu.memory_space<semaphore_mem>>) src(%dma_wait3A_89 : memref<80x128xf32, #tpu.memory_space<hbm>>) dst(%arg11 : memref<80x128xf32, #tpu.memory_space<vmem>>)
    %scan3A_90 = arith.constant 0 : i32
    %scan3A_91 = arith.constant 0 : i32
    %scan3A_92 = arith.constant 80 : i32
    %scan3A_93 = arith.addi %scan3A_91, %scan3A_92 : i32
    %scan3A_94 = arith.constant 1 : i32
    %scan3A_95 = scf.for %scan3A_218 = %scan3A_91 to %scan3A_93 step %scan3A_94 iter_args(%scan3A_219 = %scan3A_90) -> (i32)  : i32 {
      %get3A = arith.index_cast %scan3A_218 : i32 to index
      %get3A_220 = arith.constant 0 : index
      %get3A_221 = tpu.vector_load %arg10[%get3A, %get3A_220] {strides = array<i32>} : memref<80x128xf32, #tpu.memory_space<vmem>>, vector<1x16xf32>,
      %get3A_222 = vector.shape_cast %get3A_221 : vector<1x16xf32> to vector<16xf32>
      %get3A_223 = arith.index_cast %scan3A_218 : i32 to index
      %get3A_224 = arith.constant 0 : index
      %get3A_225 = tpu.vector_load %arg11[%get3A_223, %get3A_224] {strides = array<i32>} : memref<80x128xf32, #tpu.memory_space<vmem>>, vector<1x16xf32>,
      %get3A_226 = vector.shape_cast %get3A_225 : vector<1x16xf32> to vector<16xf32>
      %mul3A_227 = arith.mulf %get3A_222, %get3A_226 : vector<16xf32>
      %swap3A = arith.index_cast %scan3A_218 : i32 to index
      %swap3A_228 = arith.constant 0 : index
      %swap3A_229 = tpu.vector_load %arg10[%swap3A, %swap3A_228] {strides = array<i32>} : memref<80x128xf32, #tpu.memory_space<vmem>>, vector<1x16xf32>,
      %swap3A_230 = vector.shape_cast %swap3A_229 : vector<1x16xf32> to vector<16xf32>
      %swap3A_231 = vector.shape_cast %mul3A_227 : vector<16xf32> to vector<1x16xf32>
      tpu.vector_store %arg10[%swap3A, %swap3A_228], %swap3A_231 {strides = array<i32>} : memref<80x128xf32, #tpu.memory_space<vmem>>, vector<1x16xf32>,
      %get3A_232 = arith.index_cast %scan3A_218 : i32 to index
      %get3A_233 = arith.constant 16 : index
      %get3A_234 = tpu.vector_load %arg10[%get3A_232, %get3A_233] {strides = array<i32>} : memref<80x128xf32, #tpu.memory_space<vmem>>, vector<1x16xf32>,
      %get3A_235 = vector.shape_cast %get3A_234 : vector<1x16xf32> to vector<16xf32>
      %get3A_236 = arith.index_cast %scan3A_218 : i32 to index
      %get3A_237 = arith.constant 16 : index
      %get3A_238 = tpu.vector_load %arg11[%get3A_236, %get3A_237] {strides = array<i32>} : memref<80x128xf32, #tpu.memory_space<vmem>>, vector<1x16xf32>,
      %get3A_239 = vector.shape_cast %get3A_238 : vector<1x16xf32> to vector<16xf32>
      %mul3A_240 = arith.mulf %get3A_235, %get3A_239 : vector<16xf32>
      %swap3A_241 = arith.index_cast %scan3A_218 : i32 to index
      %swap3A_242 = arith.constant 16 : index
      %swap3A_243 = tpu.vector_load %arg10[%swap3A_241, %swap3A_242] {strides = array<i32>} : memref<80x128xf32, #tpu.memory_space<vmem>>, vector<1x16xf32>,
      %swap3A_244 = vector.shape_cast %swap3A_243 : vector<1x16xf32> to vector<16xf32>
      %swap3A_245 = vector.shape_cast %mul3A_240 : vector<16xf32> to vector<1x16xf32>
      tpu.vector_store %arg10[%swap3A_241, %swap3A_242], %swap3A_245 {strides = array<i32>} : memref<80x128xf32, #tpu.memory_space<vmem>>, vector<1x16xf32>,
      %get3A_246 = arith.index_cast %scan3A_218 : i32 to index
      %get3A_247 = arith.constant 32 : index
      %get3A_248 = tpu.vector_load %arg10[%get3A_246, %get3A_247] {strides = array<i32>} : memref<80x128xf32, #tpu.memory_space<vmem>>, vector<1x16xf32>,
      %get3A_249 = vector.shape_cast %get3A_248 : vector<1x16xf32> to vector<16xf32>
      %get3A_250 = arith.index_cast %scan3A_218 : i32 to index
      %get3A_251 = arith.constant 32 : index
      %get3A_252 = tpu.vector_load %arg11[%get3A_250, %get3A_251] {strides = array<i32>} : memref<80x128xf32, #tpu.memory_space<vmem>>, vector<1x16xf32>,
      %get3A_253 = vector.shape_cast %get3A_252 : vector<1x16xf32> to vector<16xf32>
      %mul3A_254 = arith.mulf %get3A_249, %get3A_253 : vector<16xf32>
      %swap3A_255 = arith.index_cast %scan3A_218 : i32 to index
      %swap3A_256 = arith.constant 32 : index
      %swap3A_257 = tpu.vector_load %arg10[%swap3A_255, %swap3A_256] {strides = array<i32>} : memref<80x128xf32, #tpu.memory_space<vmem>>, vector<1x16xf32>,
      %swap3A_258 = vector.shape_cast %swap3A_257 : vector<1x16xf32> to vector<16xf32>
      %swap3A_259 = vector.shape_cast %mul3A_254 : vector<16xf32> to vector<1x16xf32>
      tpu.vector_store %arg10[%swap3A_255, %swap3A_256], %swap3A_259 {strides = array<i32>} : memref<80x128xf32, #tpu.memory_space<vmem>>, vector<1x16xf32>,
      %get3A_260 = arith.index_cast %scan3A_218 : i32 to index
      %get3A_261 = arith.constant 48 : index
      %get3A_262 = tpu.vector_load %arg10[%get3A_260, %get3A_261] {strides = array<i32>} : memref<80x128xf32, #tpu.memory_space<vmem>>, vector<1x16xf32>,
      %get3A_263 = vector.shape_cast %get3A_262 : vector<1x16xf32> to vector<16xf32>
      %get3A_264 = arith.index_cast %scan3A_218 : i32 to index
      %get3A_265 = arith.constant 48 : index
      %get3A_266 = tpu.vector_load %arg11[%get3A_264, %get3A_265] {strides = array<i32>} : memref<80x128xf32, #tpu.memory_space<vmem>>, vector<1x16xf32>,
      %get3A_267 = vector.shape_cast %get3A_266 : vector<1x16xf32> to vector<16xf32>
      %mul3A_268 = arith.mulf %get3A_263, %get3A_267 : vector<16xf32>
      %swap3A_269 = arith.index_cast %scan3A_218 : i32 to index
      %swap3A_270 = arith.constant 48 : index
      %swap3A_271 = tpu.vector_load %arg10[%swap3A_269, %swap3A_270] {strides = array<i32>} : memref<80x128xf32, #tpu.memory_space<vmem>>, vector<1x16xf32>,
      %swap3A_272 = vector.shape_cast %swap3A_271 : vector<1x16xf32> to vector<16xf32>
      %swap3A_273 = vector.shape_cast %mul3A_268 : vector<16xf32> to vector<1x16xf32>
      tpu.vector_store %arg10[%swap3A_269, %swap3A_270], %swap3A_273 {strides = array<i32>} : memref<80x128xf32, #tpu.memory_space<vmem>>, vector<1x16xf32>,
      %get3A_274 = arith.index_cast %scan3A_218 : i32 to index
      %get3A_275 = arith.constant 64 : index
      %get3A_276 = tpu.vector_load %arg10[%get3A_274, %get3A_275] {strides = array<i32>} : memref<80x128xf32, #tpu.memory_space<vmem>>, vector<1x16xf32>,
      %get3A_277 = vector.shape_cast %get3A_276 : vector<1x16xf32> to vector<16xf32>
      %get3A_278 = arith.index_cast %scan3A_218 : i32 to index
      %get3A_279 = arith.constant 64 : index
      %get3A_280 = tpu.vector_load %arg11[%get3A_278, %get3A_279] {strides = array<i32>} : memref<80x128xf32, #tpu.memory_space<vmem>>, vector<1x16xf32>,
      %get3A_281 = vector.shape_cast %get3A_280 : vector<1x16xf32> to vector<16xf32>
      %mul3A_282 = arith.mulf %get3A_277, %get3A_281 : vector<16xf32>
      %swap3A_283 = arith.index_cast %scan3A_218 : i32 to index
      %swap3A_284 = arith.constant 64 : index
      %swap3A_285 = tpu.vector_load %arg10[%swap3A_283, %swap3A_284] {strides = array<i32>} : memref<80x128xf32, #tpu.memory_space<vmem>>, vector<1x16xf32>,
      %swap3A_286 = vector.shape_cast %swap3A_285 : vector<1x16xf32> to vector<16xf32>
      %swap3A_287 = vector.shape_cast %mul3A_282 : vector<16xf32> to vector<1x16xf32>
      tpu.vector_store %arg10[%swap3A_283, %swap3A_284], %swap3A_287 {strides = array<i32>} : memref<80x128xf32, #tpu.memory_space<vmem>>, vector<1x16xf32>,
      %get3A_288 = arith.index_cast %scan3A_218 : i32 to index
      %get3A_289 = arith.constant 80 : index
      %get3A_290 = tpu.vector_load %arg10[%get3A_288, %get3A_289] {strides = array<i32>} : memref<80x128xf32, #tpu.memory_space<vmem>>, vector<1x16xf32>,
      %get3A_291 = vector.shape_cast %get3A_290 : vector<1x16xf32> to vector<16xf32>
      %get3A_292 = arith.index_cast %scan3A_218 : i32 to index
      %get3A_293 = arith.constant 80 : index
      %get3A_294 = tpu.vector_load %arg11[%get3A_292, %get3A_293] {strides = array<i32>} : memref<80x128xf32, #tpu.memory_space<vmem>>, vector<1x16xf32>,
      %get3A_295 = vector.shape_cast %get3A_294 : vector<1x16xf32> to vector<16xf32>
      %mul3A_296 = arith.mulf %get3A_291, %get3A_295 : vector<16xf32>
      %swap3A_297 = arith.index_cast %scan3A_218 : i32 to index
      %swap3A_298 = arith.constant 80 : index
      %swap3A_299 = tpu.vector_load %arg10[%swap3A_297, %swap3A_298] {strides = array<i32>} : memref<80x128xf32, #tpu.memory_space<vmem>>, vector<1x16xf32>,
      %swap3A_300 = vector.shape_cast %swap3A_299 : vector<1x16xf32> to vector<16xf32>
      %swap3A_301 = vector.shape_cast %mul3A_296 : vector<16xf32> to vector<1x16xf32>
      tpu.vector_store %arg10[%swap3A_297, %swap3A_298], %swap3A_301 {strides = array<i32>} : memref<80x128xf32, #tpu.memory_space<vmem>>, vector<1x16xf32>,
      %get3A_302 = arith.index_cast %scan3A_218 : i32 to index
      %get3A_303 = arith.constant 96 : index
      %get3A_304 = tpu.vector_load %arg10[%get3A_302, %get3A_303] {strides = array<i32>} : memref<80x128xf32, #tpu.memory_space<vmem>>, vector<1x16xf32>,
      %get3A_305 = vector.shape_cast %get3A_304 : vector<1x16xf32> to vector<16xf32>
      %get3A_306 = arith.index_cast %scan3A_218 : i32 to index
      %get3A_307 = arith.constant 96 : index
      %get3A_308 = tpu.vector_load %arg11[%get3A_306, %get3A_307] {strides = array<i32>} : memref<80x128xf32, #tpu.memory_space<vmem>>, vector<1x16xf32>,
      %get3A_309 = vector.shape_cast %get3A_308 : vector<1x16xf32> to vector<16xf32>
      %mul3A_310 = arith.mulf %get3A_305, %get3A_309 : vector<16xf32>
      %swap3A_311 = arith.index_cast %scan3A_218 : i32 to index
      %swap3A_312 = arith.constant 96 : index
      %swap3A_313 = tpu.vector_load %arg10[%swap3A_311, %swap3A_312] {strides = array<i32>} : memref<80x128xf32, #tpu.memory_space<vmem>>, vector<1x16xf32>,
      %swap3A_314 = vector.shape_cast %swap3A_313 : vector<1x16xf32> to vector<16xf32>
      %swap3A_315 = vector.shape_cast %mul3A_310 : vector<16xf32> to vector<1x16xf32>
      tpu.vector_store %arg10[%swap3A_311, %swap3A_312], %swap3A_315 {strides = array<i32>} : memref<80x128xf32, #tpu.memory_space<vmem>>, vector<1x16xf32>,
      %get3A_316 = arith.index_cast %scan3A_218 : i32 to index
      %get3A_317 = arith.constant 112 : index
      %get3A_318 = tpu.vector_load %arg10[%get3A_316, %get3A_317] {strides = array<i32>} : memref<80x128xf32, #tpu.memory_space<vmem>>, vector<1x16xf32>,
      %get3A_319 = vector.shape_cast %get3A_318 : vector<1x16xf32> to vector<16xf32>
      %get3A_320 = arith.index_cast %scan3A_218 : i32 to index
      %get3A_321 = arith.constant 112 : index
      %get3A_322 = tpu.vector_load %arg11[%get3A_320, %get3A_321] {strides = array<i32>} : memref<80x128xf32, #tpu.memory_space<vmem>>, vector<1x16xf32>,
      %get3A_323 = vector.shape_cast %get3A_322 : vector<1x16xf32> to vector<16xf32>
      %mul3A_324 = arith.mulf %get3A_319, %get3A_323 : vector<16xf32>
      %swap3A_325 = arith.index_cast %scan3A_218 : i32 to index
      %swap3A_326 = arith.constant 112 : index
      %swap3A_327 = tpu.vector_load %arg10[%swap3A_325, %swap3A_326] {strides = array<i32>} : memref<80x128xf32, #tpu.memory_space<vmem>>, vector<1x16xf32>,
      %swap3A_328 = vector.shape_cast %swap3A_327 : vector<1x16xf32> to vector<16xf32>
      %swap3A_329 = vector.shape_cast %mul3A_324 : vector<16xf32> to vector<1x16xf32>
      tpu.vector_store %arg10[%swap3A_325, %swap3A_326], %swap3A_329 {strides = array<i32>} : memref<80x128xf32, #tpu.memory_space<vmem>>, vector<1x16xf32>,
      %scan3A_330 = arith.constant 0 : i32
      scf.yield %scan3A_330 : i32
    }
    %scan3A_96 = arith.constant 80 : i32
    %add3A_97 = arith.constant 9680 : i32
    %add3A_98 = arith.addi %mul3A_2, %add3A_97 : i32
    %dma_start3A_99 = arith.constant 0 : i32
    %dma_start3A_100 = tpu.memref_slice %arg5[%add3A_98, %dma_start3A_99] : memref<320000x128xf32, #tpu.memory_space<hbm>> -> memref<80x128xf32, #tpu.memory_space<hbm>>
    %dma_start3A_101 = arith.constant 0 : i32
    %dma_start3A_102 = tpu.memref_slice %arg5[%add3A_98, %dma_start3A_101] : memref<320000x128xf32, #tpu.memory_space<hbm>> -> memref<80x128xf32, #tpu.memory_space<hbm>>
    tpu.enqueue_dma source(%arg10 : memref<80x128xf32, #tpu.memory_space<vmem>>) target(%dma_start3A_102 : memref<80x128xf32, #tpu.memory_space<hbm>>) target_semaphore(%arg25 : memref<!tpu.dma_semaphore, #tpu.memory_space<semaphore_mem>>)
    %dma_wait3A_103 = arith.constant 0 : i32
    %dma_wait3A_104 = arith.constant 0 : i32
    %dma_wait3A_105 = tpu.memref_slice %arg5[%dma_wait3A_103, %dma_wait3A_104] : memref<320000x128xf32, #tpu.memory_space<hbm>> -> memref<80x128xf32, #tpu.memory_space<hbm>>
    %dma_wait3A_106 = arith.constant 0 : i32
    %dma_wait3A_107 = arith.constant 0 : i32
    %dma_wait3A_108 = tpu.memref_slice %arg5[%dma_wait3A_106, %dma_wait3A_107] : memref<320000x128xf32, #tpu.memory_space<hbm>> -> memref<80x128xf32, #tpu.memory_space<hbm>>
    tpu.wait_dma2 semaphore(%arg24 : memref<!tpu.dma_semaphore, #tpu.memory_space<semaphore_mem>>) src(%dma_wait3A_108 : memref<80x128xf32, #tpu.memory_space<hbm>>) dst(%arg8 : memref<80x128xf32, #tpu.memory_space<vmem>>)
    %dma_start3A_109 = arith.constant 9920 : i32
    %dma_start3A_110 = tpu.memref_slice %arg6[%dma_start3A_109] : memref<10000xi32, #tpu.memory_space<vmem>> -> memref<80xi32, #tpu.memory_space<vmem>>
    %dma_start3A_111 = arith.constant 0 : i32
    %dma_start3A_112 = arith.constant 0 : i32
    %dma_start3A_113 = tpu.memref_slice %arg2[%dma_start3A_111, %dma_start3A_112] : memref<10000x128xf32, #tpu.memory_space<hbm>> -> memref<10000x128xf32, #tpu.memory_space<hbm>>
    tpu.enqueue_indirect_dma source(%dma_start3A_113 : memref<10000x128xf32, #tpu.memory_space<hbm>>) target(%arg8 : memref<80x128xf32, #tpu.memory_space<vmem>>) offsets(%dma_start3A_110 : memref<80xi32, #tpu.memory_space<vmem>>) semaphore(%arg16 : memref<!tpu.dma_semaphore, #tpu.memory_space<semaphore_mem>>)
    %dma_start3A_114 = arith.constant 9920 : i32
    %dma_start3A_115 = tpu.memref_slice %arg7[%dma_start3A_114] : memref<10000xi32, #tpu.memory_space<vmem>> -> memref<80xi32, #tpu.memory_space<vmem>>
    %dma_start3A_116 = arith.constant 0 : i32
    %dma_start3A_117 = arith.constant 0 : i32
    %dma_start3A_118 = tpu.memref_slice %arg2[%dma_start3A_116, %dma_start3A_117] : memref<10000x128xf32, #tpu.memory_space<hbm>> -> memref<10000x128xf32, #tpu.memory_space<hbm>>
    tpu.enqueue_indirect_dma source(%dma_start3A_118 : memref<10000x128xf32, #tpu.memory_space<hbm>>) target(%arg9 : memref<80x128xf32, #tpu.memory_space<vmem>>) offsets(%dma_start3A_115 : memref<80xi32, #tpu.memory_space<vmem>>) semaphore(%arg17 : memref<!tpu.dma_semaphore, #tpu.memory_space<semaphore_mem>>)
    %dma_wait3A_119 = arith.constant 0 : i32
    %dma_wait3A_120 = arith.constant 0 : i32
    %dma_wait3A_121 = tpu.memref_slice %arg5[%dma_wait3A_119, %dma_wait3A_120] : memref<320000x128xf32, #tpu.memory_space<hbm>> -> memref<80x128xf32, #tpu.memory_space<hbm>>
    %dma_wait3A_122 = arith.constant 0 : i32
    %dma_wait3A_123 = arith.constant 0 : i32
    %dma_wait3A_124 = tpu.memref_slice %arg5[%dma_wait3A_122, %dma_wait3A_123] : memref<320000x128xf32, #tpu.memory_space<hbm>> -> memref<80x128xf32, #tpu.memory_space<hbm>>
    tpu.wait_dma2 semaphore(%arg20 : memref<!tpu.dma_semaphore, #tpu.memory_space<semaphore_mem>>) src(%dma_wait3A_124 : memref<80x128xf32, #tpu.memory_space<hbm>>) dst(%arg12 : memref<80x128xf32, #tpu.memory_space<vmem>>)
    %dma_wait3A_125 = arith.constant 0 : i32
    %dma_wait3A_126 = arith.constant 0 : i32
    %dma_wait3A_127 = tpu.memref_slice %arg5[%dma_wait3A_125, %dma_wait3A_126] : memref<320000x128xf32, #tpu.memory_space<hbm>> -> memref<80x128xf32, #tpu.memory_space<hbm>>
    %dma_wait3A_128 = arith.constant 0 : i32
    %dma_wait3A_129 = arith.constant 0 : i32
    %dma_wait3A_130 = tpu.memref_slice %arg5[%dma_wait3A_128, %dma_wait3A_129] : memref<320000x128xf32, #tpu.memory_space<hbm>> -> memref<80x128xf32, #tpu.memory_space<hbm>>
    tpu.wait_dma2 semaphore(%arg21 : memref<!tpu.dma_semaphore, #tpu.memory_space<semaphore_mem>>) src(%dma_wait3A_130 : memref<80x128xf32, #tpu.memory_space<hbm>>) dst(%arg13 : memref<80x128xf32, #tpu.memory_space<vmem>>)
    %scan3A_131 = arith.constant 0 : i32
    %scan3A_132 = arith.constant 0 : i32
    %scan3A_133 = arith.constant 80 : i32
    %scan3A_134 = arith.addi %scan3A_132, %scan3A_133 : i32
    %scan3A_135 = arith.constant 1 : i32
    %scan3A_136 = scf.for %scan3A_218 = %scan3A_132 to %scan3A_134 step %scan3A_135 iter_args(%scan3A_219 = %scan3A_131) -> (i32)  : i32 {
      %get3A = arith.index_cast %scan3A_218 : i32 to index
      %get3A_220 = arith.constant 0 : index
      %get3A_221 = tpu.vector_load %arg12[%get3A, %get3A_220] {strides = array<i32>} : memref<80x128xf32, #tpu.memory_space<vmem>>, vector<1x16xf32>,
      %get3A_222 = vector.shape_cast %get3A_221 : vector<1x16xf32> to vector<16xf32>
      %get3A_223 = arith.index_cast %scan3A_218 : i32 to index
      %get3A_224 = arith.constant 0 : index
      %get3A_225 = tpu.vector_load %arg13[%get3A_223, %get3A_224] {strides = array<i32>} : memref<80x128xf32, #tpu.memory_space<vmem>>, vector<1x16xf32>,
      %get3A_226 = vector.shape_cast %get3A_225 : vector<1x16xf32> to vector<16xf32>
      %mul3A_227 = arith.mulf %get3A_222, %get3A_226 : vector<16xf32>
      %swap3A = arith.index_cast %scan3A_218 : i32 to index
      %swap3A_228 = arith.constant 0 : index
      %swap3A_229 = tpu.vector_load %arg12[%swap3A, %swap3A_228] {strides = array<i32>} : memref<80x128xf32, #tpu.memory_space<vmem>>, vector<1x16xf32>,
      %swap3A_230 = vector.shape_cast %swap3A_229 : vector<1x16xf32> to vector<16xf32>
      %swap3A_231 = vector.shape_cast %mul3A_227 : vector<16xf32> to vector<1x16xf32>
      tpu.vector_store %arg12[%swap3A, %swap3A_228], %swap3A_231 {strides = array<i32>} : memref<80x128xf32, #tpu.memory_space<vmem>>, vector<1x16xf32>,
      %get3A_232 = arith.index_cast %scan3A_218 : i32 to index
      %get3A_233 = arith.constant 16 : index
      %get3A_234 = tpu.vector_load %arg12[%get3A_232, %get3A_233] {strides = array<i32>} : memref<80x128xf32, #tpu.memory_space<vmem>>, vector<1x16xf32>,
      %get3A_235 = vector.shape_cast %get3A_234 : vector<1x16xf32> to vector<16xf32>
      %get3A_236 = arith.index_cast %scan3A_218 : i32 to index
      %get3A_237 = arith.constant 16 : index
      %get3A_238 = tpu.vector_load %arg13[%get3A_236, %get3A_237] {strides = array<i32>} : memref<80x128xf32, #tpu.memory_space<vmem>>, vector<1x16xf32>,
      %get3A_239 = vector.shape_cast %get3A_238 : vector<1x16xf32> to vector<16xf32>
      %mul3A_240 = arith.mulf %get3A_235, %get3A_239 : vector<16xf32>
      %swap3A_241 = arith.index_cast %scan3A_218 : i32 to index
      %swap3A_242 = arith.constant 16 : index
      %swap3A_243 = tpu.vector_load %arg12[%swap3A_241, %swap3A_242] {strides = array<i32>} : memref<80x128xf32, #tpu.memory_space<vmem>>, vector<1x16xf32>,
      %swap3A_244 = vector.shape_cast %swap3A_243 : vector<1x16xf32> to vector<16xf32>
      %swap3A_245 = vector.shape_cast %mul3A_240 : vector<16xf32> to vector<1x16xf32>
      tpu.vector_store %arg12[%swap3A_241, %swap3A_242], %swap3A_245 {strides = array<i32>} : memref<80x128xf32, #tpu.memory_space<vmem>>, vector<1x16xf32>,
      %get3A_246 = arith.index_cast %scan3A_218 : i32 to index
      %get3A_247 = arith.constant 32 : index
      %get3A_248 = tpu.vector_load %arg12[%get3A_246, %get3A_247] {strides = array<i32>} : memref<80x128xf32, #tpu.memory_space<vmem>>, vector<1x16xf32>,
      %get3A_249 = vector.shape_cast %get3A_248 : vector<1x16xf32> to vector<16xf32>
      %get3A_250 = arith.index_cast %scan3A_218 : i32 to index
      %get3A_251 = arith.constant 32 : index
      %get3A_252 = tpu.vector_load %arg13[%get3A_250, %get3A_251] {strides = array<i32>} : memref<80x128xf32, #tpu.memory_space<vmem>>, vector<1x16xf32>,
      %get3A_253 = vector.shape_cast %get3A_252 : vector<1x16xf32> to vector<16xf32>
      %mul3A_254 = arith.mulf %get3A_249, %get3A_253 : vector<16xf32>
      %swap3A_255 = arith.index_cast %scan3A_218 : i32 to index
      %swap3A_256 = arith.constant 32 : index
      %swap3A_257 = tpu.vector_load %arg12[%swap3A_255, %swap3A_256] {strides = array<i32>} : memref<80x128xf32, #tpu.memory_space<vmem>>, vector<1x16xf32>,
      %swap3A_258 = vector.shape_cast %swap3A_257 : vector<1x16xf32> to vector<16xf32>
      %swap3A_259 = vector.shape_cast %mul3A_254 : vector<16xf32> to vector<1x16xf32>
      tpu.vector_store %arg12[%swap3A_255, %swap3A_256], %swap3A_259 {strides = array<i32>} : memref<80x128xf32, #tpu.memory_space<vmem>>, vector<1x16xf32>,
      %get3A_260 = arith.index_cast %scan3A_218 : i32 to index
      %get3A_261 = arith.constant 48 : index
      %get3A_262 = tpu.vector_load %arg12[%get3A_260, %get3A_261] {strides = array<i32>} : memref<80x128xf32, #tpu.memory_space<vmem>>, vector<1x16xf32>,
      %get3A_263 = vector.shape_cast %get3A_262 : vector<1x16xf32> to vector<16xf32>
      %get3A_264 = arith.index_cast %scan3A_218 : i32 to index
      %get3A_265 = arith.constant 48 : index
      %get3A_266 = tpu.vector_load %arg13[%get3A_264, %get3A_265] {strides = array<i32>} : memref<80x128xf32, #tpu.memory_space<vmem>>, vector<1x16xf32>,
      %get3A_267 = vector.shape_cast %get3A_266 : vector<1x16xf32> to vector<16xf32>
      %mul3A_268 = arith.mulf %get3A_263, %get3A_267 : vector<16xf32>
      %swap3A_269 = arith.index_cast %scan3A_218 : i32 to index
      %swap3A_270 = arith.constant 48 : index
      %swap3A_271 = tpu.vector_load %arg12[%swap3A_269, %swap3A_270] {strides = array<i32>} : memref<80x128xf32, #tpu.memory_space<vmem>>, vector<1x16xf32>,
      %swap3A_272 = vector.shape_cast %swap3A_271 : vector<1x16xf32> to vector<16xf32>
      %swap3A_273 = vector.shape_cast %mul3A_268 : vector<16xf32> to vector<1x16xf32>
      tpu.vector_store %arg12[%swap3A_269, %swap3A_270], %swap3A_273 {strides = array<i32>} : memref<80x128xf32, #tpu.memory_space<vmem>>, vector<1x16xf32>,
      %get3A_274 = arith.index_cast %scan3A_218 : i32 to index
      %get3A_275 = arith.constant 64 : index
      %get3A_276 = tpu.vector_load %arg12[%get3A_274, %get3A_275] {strides = array<i32>} : memref<80x128xf32, #tpu.memory_space<vmem>>, vector<1x16xf32>,
      %get3A_277 = vector.shape_cast %get3A_276 : vector<1x16xf32> to vector<16xf32>
      %get3A_278 = arith.index_cast %scan3A_218 : i32 to index
      %get3A_279 = arith.constant 64 : index
      %get3A_280 = tpu.vector_load %arg13[%get3A_278, %get3A_279] {strides = array<i32>} : memref<80x128xf32, #tpu.memory_space<vmem>>, vector<1x16xf32>,
      %get3A_281 = vector.shape_cast %get3A_280 : vector<1x16xf32> to vector<16xf32>
      %mul3A_282 = arith.mulf %get3A_277, %get3A_281 : vector<16xf32>
      %swap3A_283 = arith.index_cast %scan3A_218 : i32 to index
      %swap3A_284 = arith.constant 64 : index
      %swap3A_285 = tpu.vector_load %arg12[%swap3A_283, %swap3A_284] {strides = array<i32>} : memref<80x128xf32, #tpu.memory_space<vmem>>, vector<1x16xf32>,
      %swap3A_286 = vector.shape_cast %swap3A_285 : vector<1x16xf32> to vector<16xf32>
      %swap3A_287 = vector.shape_cast %mul3A_282 : vector<16xf32> to vector<1x16xf32>
      tpu.vector_store %arg12[%swap3A_283, %swap3A_284], %swap3A_287 {strides = array<i32>} : memref<80x128xf32, #tpu.memory_space<vmem>>, vector<1x16xf32>,
      %get3A_288 = arith.index_cast %scan3A_218 : i32 to index
      %get3A_289 = arith.constant 80 : index
      %get3A_290 = tpu.vector_load %arg12[%get3A_288, %get3A_289] {strides = array<i32>} : memref<80x128xf32, #tpu.memory_space<vmem>>, vector<1x16xf32>,
      %get3A_291 = vector.shape_cast %get3A_290 : vector<1x16xf32> to vector<16xf32>
      %get3A_292 = arith.index_cast %scan3A_218 : i32 to index
      %get3A_293 = arith.constant 80 : index
      %get3A_294 = tpu.vector_load %arg13[%get3A_292, %get3A_293] {strides = array<i32>} : memref<80x128xf32, #tpu.memory_space<vmem>>, vector<1x16xf32>,
      %get3A_295 = vector.shape_cast %get3A_294 : vector<1x16xf32> to vector<16xf32>
      %mul3A_296 = arith.mulf %get3A_291, %get3A_295 : vector<16xf32>
      %swap3A_297 = arith.index_cast %scan3A_218 : i32 to index
      %swap3A_298 = arith.constant 80 : index
      %swap3A_299 = tpu.vector_load %arg12[%swap3A_297, %swap3A_298] {strides = array<i32>} : memref<80x128xf32, #tpu.memory_space<vmem>>, vector<1x16xf32>,
      %swap3A_300 = vector.shape_cast %swap3A_299 : vector<1x16xf32> to vector<16xf32>
      %swap3A_301 = vector.shape_cast %mul3A_296 : vector<16xf32> to vector<1x16xf32>
      tpu.vector_store %arg12[%swap3A_297, %swap3A_298], %swap3A_301 {strides = array<i32>} : memref<80x128xf32, #tpu.memory_space<vmem>>, vector<1x16xf32>,
      %get3A_302 = arith.index_cast %scan3A_218 : i32 to index
      %get3A_303 = arith.constant 96 : index
      %get3A_304 = tpu.vector_load %arg12[%get3A_302, %get3A_303] {strides = array<i32>} : memref<80x128xf32, #tpu.memory_space<vmem>>, vector<1x16xf32>,
      %get3A_305 = vector.shape_cast %get3A_304 : vector<1x16xf32> to vector<16xf32>
      %get3A_306 = arith.index_cast %scan3A_218 : i32 to index
      %get3A_307 = arith.constant 96 : index
      %get3A_308 = tpu.vector_load %arg13[%get3A_306, %get3A_307] {strides = array<i32>} : memref<80x128xf32, #tpu.memory_space<vmem>>, vector<1x16xf32>,
      %get3A_309 = vector.shape_cast %get3A_308 : vector<1x16xf32> to vector<16xf32>
      %mul3A_310 = arith.mulf %get3A_305, %get3A_309 : vector<16xf32>
      %swap3A_311 = arith.index_cast %scan3A_218 : i32 to index
      %swap3A_312 = arith.constant 96 : index
      %swap3A_313 = tpu.vector_load %arg12[%swap3A_311, %swap3A_312] {strides = array<i32>} : memref<80x128xf32, #tpu.memory_space<vmem>>, vector<1x16xf32>,
      %swap3A_314 = vector.shape_cast %swap3A_313 : vector<1x16xf32> to vector<16xf32>
      %swap3A_315 = vector.shape_cast %mul3A_310 : vector<16xf32> to vector<1x16xf32>
      tpu.vector_store %arg12[%swap3A_311, %swap3A_312], %swap3A_315 {strides = array<i32>} : memref<80x128xf32, #tpu.memory_space<vmem>>, vector<1x16xf32>,
      %get3A_316 = arith.index_cast %scan3A_218 : i32 to index
      %get3A_317 = arith.constant 112 : index
      %get3A_318 = tpu.vector_load %arg12[%get3A_316, %get3A_317] {strides = array<i32>} : memref<80x128xf32, #tpu.memory_space<vmem>>, vector<1x16xf32>,
      %get3A_319 = vector.shape_cast %get3A_318 : vector<1x16xf32> to vector<16xf32>
      %get3A_320 = arith.index_cast %scan3A_218 : i32 to index
      %get3A_321 = arith.constant 112 : index
      %get3A_322 = tpu.vector_load %arg13[%get3A_320, %get3A_321] {strides = array<i32>} : memref<80x128xf32, #tpu.memory_space<vmem>>, vector<1x16xf32>,
      %get3A_323 = vector.shape_cast %get3A_322 : vector<1x16xf32> to vector<16xf32>
      %mul3A_324 = arith.mulf %get3A_319, %get3A_323 : vector<16xf32>
      %swap3A_325 = arith.index_cast %scan3A_218 : i32 to index
      %swap3A_326 = arith.constant 112 : index
      %swap3A_327 = tpu.vector_load %arg12[%swap3A_325, %swap3A_326] {strides = array<i32>} : memref<80x128xf32, #tpu.memory_space<vmem>>, vector<1x16xf32>,
      %swap3A_328 = vector.shape_cast %swap3A_327 : vector<1x16xf32> to vector<16xf32>
      %swap3A_329 = vector.shape_cast %mul3A_324 : vector<16xf32> to vector<1x16xf32>
      tpu.vector_store %arg12[%swap3A_325, %swap3A_326], %swap3A_329 {strides = array<i32>} : memref<80x128xf32, #tpu.memory_space<vmem>>, vector<1x16xf32>,
      %scan3A_330 = arith.constant 0 : i32
      scf.yield %scan3A_330 : i32
    }
    %scan3A_137 = arith.constant 80 : i32
    %add3A_138 = arith.constant 9760 : i32
    %add3A_139 = arith.addi %mul3A_2, %add3A_138 : i32
    %dma_start3A_140 = arith.constant 0 : i32
    %dma_start3A_141 = tpu.memref_slice %arg5[%add3A_139, %dma_start3A_140] : memref<320000x128xf32, #tpu.memory_space<hbm>> -> memref<80x128xf32, #tpu.memory_space<hbm>>
    %dma_start3A_142 = arith.constant 0 : i32
    %dma_start3A_143 = tpu.memref_slice %arg5[%add3A_139, %dma_start3A_142] : memref<320000x128xf32, #tpu.memory_space<hbm>> -> memref<80x128xf32, #tpu.memory_space<hbm>>
    tpu.enqueue_dma source(%arg12 : memref<80x128xf32, #tpu.memory_space<vmem>>) target(%dma_start3A_143 : memref<80x128xf32, #tpu.memory_space<hbm>>) target_semaphore(%arg26 : memref<!tpu.dma_semaphore, #tpu.memory_space<semaphore_mem>>)
    %dma_wait3A_144 = arith.constant 0 : i32
    %dma_wait3A_145 = arith.constant 0 : i32
    %dma_wait3A_146 = tpu.memref_slice %arg5[%dma_wait3A_144, %dma_wait3A_145] : memref<320000x128xf32, #tpu.memory_space<hbm>> -> memref<80x128xf32, #tpu.memory_space<hbm>>
    %dma_wait3A_147 = arith.constant 0 : i32
    %dma_wait3A_148 = arith.constant 0 : i32
    %dma_wait3A_149 = tpu.memref_slice %arg5[%dma_wait3A_147, %dma_wait3A_148] : memref<320000x128xf32, #tpu.memory_space<hbm>> -> memref<80x128xf32, #tpu.memory_space<hbm>>
    tpu.wait_dma2 semaphore(%arg25 : memref<!tpu.dma_semaphore, #tpu.memory_space<semaphore_mem>>) src(%dma_wait3A_149 : memref<80x128xf32, #tpu.memory_space<hbm>>) dst(%arg10 : memref<80x128xf32, #tpu.memory_space<vmem>>)
    %dma_wait3A_150 = arith.constant 0 : i32
    %dma_wait3A_151 = arith.constant 0 : i32
    %dma_wait3A_152 = tpu.memref_slice %arg5[%dma_wait3A_150, %dma_wait3A_151] : memref<320000x128xf32, #tpu.memory_space<hbm>> -> memref<80x128xf32, #tpu.memory_space<hbm>>
    %dma_wait3A_153 = arith.constant 0 : i32
    %dma_wait3A_154 = arith.constant 0 : i32
    %dma_wait3A_155 = tpu.memref_slice %arg5[%dma_wait3A_153, %dma_wait3A_154] : memref<320000x128xf32, #tpu.memory_space<hbm>> -> memref<80x128xf32, #tpu.memory_space<hbm>>
    tpu.wait_dma2 semaphore(%arg22 : memref<!tpu.dma_semaphore, #tpu.memory_space<semaphore_mem>>) src(%dma_wait3A_155 : memref<80x128xf32, #tpu.memory_space<hbm>>) dst(%arg14 : memref<80x128xf32, #tpu.memory_space<vmem>>)
    %dma_wait3A_156 = arith.constant 0 : i32
    %dma_wait3A_157 = arith.constant 0 : i32
    %dma_wait3A_158 = tpu.memref_slice %arg5[%dma_wait3A_156, %dma_wait3A_157] : memref<320000x128xf32, #tpu.memory_space<hbm>> -> memref<80x128xf32, #tpu.memory_space<hbm>>
    %dma_wait3A_159 = arith.constant 0 : i32
    %dma_wait3A_160 = arith.constant 0 : i32
    %dma_wait3A_161 = tpu.memref_slice %arg5[%dma_wait3A_159, %dma_wait3A_160] : memref<320000x128xf32, #tpu.memory_space<hbm>> -> memref<80x128xf32, #tpu.memory_space<hbm>>
    tpu.wait_dma2 semaphore(%arg23 : memref<!tpu.dma_semaphore, #tpu.memory_space<semaphore_mem>>) src(%dma_wait3A_161 : memref<80x128xf32, #tpu.memory_space<hbm>>) dst(%arg15 : memref<80x128xf32, #tpu.memory_space<vmem>>)
    %scan3A_162 = arith.constant 0 : i32
    %scan3A_163 = arith.constant 0 : i32
    %scan3A_164 = arith.constant 80 : i32
    %scan3A_165 = arith.addi %scan3A_163, %scan3A_164 : i32
    %scan3A_166 = arith.constant 1 : i32
    %scan3A_167 = scf.for %scan3A_218 = %scan3A_163 to %scan3A_165 step %scan3A_166 iter_args(%scan3A_219 = %scan3A_162) -> (i32)  : i32 {
      %get3A = arith.index_cast %scan3A_218 : i32 to index
      %get3A_220 = arith.constant 0 : index
      %get3A_221 = tpu.vector_load %arg14[%get3A, %get3A_220] {strides = array<i32>} : memref<80x128xf32, #tpu.memory_space<vmem>>, vector<1x16xf32>,
      %get3A_222 = vector.shape_cast %get3A_221 : vector<1x16xf32> to vector<16xf32>
      %get3A_223 = arith.index_cast %scan3A_218 : i32 to index
      %get3A_224 = arith.constant 0 : index
      %get3A_225 = tpu.vector_load %arg15[%get3A_223, %get3A_224] {strides = array<i32>} : memref<80x128xf32, #tpu.memory_space<vmem>>, vector<1x16xf32>,
      %get3A_226 = vector.shape_cast %get3A_225 : vector<1x16xf32> to vector<16xf32>
      %mul3A_227 = arith.mulf %get3A_222, %get3A_226 : vector<16xf32>
      %swap3A = arith.index_cast %scan3A_218 : i32 to index
      %swap3A_228 = arith.constant 0 : index
      %swap3A_229 = tpu.vector_load %arg14[%swap3A, %swap3A_228] {strides = array<i32>} : memref<80x128xf32, #tpu.memory_space<vmem>>, vector<1x16xf32>,
      %swap3A_230 = vector.shape_cast %swap3A_229 : vector<1x16xf32> to vector<16xf32>
      %swap3A_231 = vector.shape_cast %mul3A_227 : vector<16xf32> to vector<1x16xf32>
      tpu.vector_store %arg14[%swap3A, %swap3A_228], %swap3A_231 {strides = array<i32>} : memref<80x128xf32, #tpu.memory_space<vmem>>, vector<1x16xf32>,
      %get3A_232 = arith.index_cast %scan3A_218 : i32 to index
      %get3A_233 = arith.constant 16 : index
      %get3A_234 = tpu.vector_load %arg14[%get3A_232, %get3A_233] {strides = array<i32>} : memref<80x128xf32, #tpu.memory_space<vmem>>, vector<1x16xf32>,
      %get3A_235 = vector.shape_cast %get3A_234 : vector<1x16xf32> to vector<16xf32>
      %get3A_236 = arith.index_cast %scan3A_218 : i32 to index
      %get3A_237 = arith.constant 16 : index
      %get3A_238 = tpu.vector_load %arg15[%get3A_236, %get3A_237] {strides = array<i32>} : memref<80x128xf32, #tpu.memory_space<vmem>>, vector<1x16xf32>,
      %get3A_239 = vector.shape_cast %get3A_238 : vector<1x16xf32> to vector<16xf32>
      %mul3A_240 = arith.mulf %get3A_235, %get3A_239 : vector<16xf32>
      %swap3A_241 = arith.index_cast %scan3A_218 : i32 to index
      %swap3A_242 = arith.constant 16 : index
      %swap3A_243 = tpu.vector_load %arg14[%swap3A_241, %swap3A_242] {strides = array<i32>} : memref<80x128xf32, #tpu.memory_space<vmem>>, vector<1x16xf32>,
      %swap3A_244 = vector.shape_cast %swap3A_243 : vector<1x16xf32> to vector<16xf32>
      %swap3A_245 = vector.shape_cast %mul3A_240 : vector<16xf32> to vector<1x16xf32>
      tpu.vector_store %arg14[%swap3A_241, %swap3A_242], %swap3A_245 {strides = array<i32>} : memref<80x128xf32, #tpu.memory_space<vmem>>, vector<1x16xf32>,
      %get3A_246 = arith.index_cast %scan3A_218 : i32 to index
      %get3A_247 = arith.constant 32 : index
      %get3A_248 = tpu.vector_load %arg14[%get3A_246, %get3A_247] {strides = array<i32>} : memref<80x128xf32, #tpu.memory_space<vmem>>, vector<1x16xf32>,
      %get3A_249 = vector.shape_cast %get3A_248 : vector<1x16xf32> to vector<16xf32>
      %get3A_250 = arith.index_cast %scan3A_218 : i32 to index
      %get3A_251 = arith.constant 32 : index
      %get3A_252 = tpu.vector_load %arg15[%get3A_250, %get3A_251] {strides = array<i32>} : memref<80x128xf32, #tpu.memory_space<vmem>>, vector<1x16xf32>,
      %get3A_253 = vector.shape_cast %get3A_252 : vector<1x16xf32> to vector<16xf32>
      %mul3A_254 = arith.mulf %get3A_249, %get3A_253 : vector<16xf32>
      %swap3A_255 = arith.index_cast %scan3A_218 : i32 to index
      %swap3A_256 = arith.constant 32 : index
      %swap3A_257 = tpu.vector_load %arg14[%swap3A_255, %swap3A_256] {strides = array<i32>} : memref<80x128xf32, #tpu.memory_space<vmem>>, vector<1x16xf32>,
      %swap3A_258 = vector.shape_cast %swap3A_257 : vector<1x16xf32> to vector<16xf32>
      %swap3A_259 = vector.shape_cast %mul3A_254 : vector<16xf32> to vector<1x16xf32>
      tpu.vector_store %arg14[%swap3A_255, %swap3A_256], %swap3A_259 {strides = array<i32>} : memref<80x128xf32, #tpu.memory_space<vmem>>, vector<1x16xf32>,
      %get3A_260 = arith.index_cast %scan3A_218 : i32 to index
      %get3A_261 = arith.constant 48 : index
      %get3A_262 = tpu.vector_load %arg14[%get3A_260, %get3A_261] {strides = array<i32>} : memref<80x128xf32, #tpu.memory_space<vmem>>, vector<1x16xf32>,
      %get3A_263 = vector.shape_cast %get3A_262 : vector<1x16xf32> to vector<16xf32>
      %get3A_264 = arith.index_cast %scan3A_218 : i32 to index
      %get3A_265 = arith.constant 48 : index
      %get3A_266 = tpu.vector_load %arg15[%get3A_264, %get3A_265] {strides = array<i32>} : memref<80x128xf32, #tpu.memory_space<vmem>>, vector<1x16xf32>,
      %get3A_267 = vector.shape_cast %get3A_266 : vector<1x16xf32> to vector<16xf32>
      %mul3A_268 = arith.mulf %get3A_263, %get3A_267 : vector<16xf32>
      %swap3A_269 = arith.index_cast %scan3A_218 : i32 to index
      %swap3A_270 = arith.constant 48 : index
      %swap3A_271 = tpu.vector_load %arg14[%swap3A_269, %swap3A_270] {strides = array<i32>} : memref<80x128xf32, #tpu.memory_space<vmem>>, vector<1x16xf32>,
      %swap3A_272 = vector.shape_cast %swap3A_271 : vector<1x16xf32> to vector<16xf32>
      %swap3A_273 = vector.shape_cast %mul3A_268 : vector<16xf32> to vector<1x16xf32>
      tpu.vector_store %arg14[%swap3A_269, %swap3A_270], %swap3A_273 {strides = array<i32>} : memref<80x128xf32, #tpu.memory_space<vmem>>, vector<1x16xf32>,
      %get3A_274 = arith.index_cast %scan3A_218 : i32 to index
      %get3A_275 = arith.constant 64 : index
      %get3A_276 = tpu.vector_load %arg14[%get3A_274, %get3A_275] {strides = array<i32>} : memref<80x128xf32, #tpu.memory_space<vmem>>, vector<1x16xf32>,
      %get3A_277 = vector.shape_cast %get3A_276 : vector<1x16xf32> to vector<16xf32>
      %get3A_278 = arith.index_cast %scan3A_218 : i32 to index
      %get3A_279 = arith.constant 64 : index
      %get3A_280 = tpu.vector_load %arg15[%get3A_278, %get3A_279] {strides = array<i32>} : memref<80x128xf32, #tpu.memory_space<vmem>>, vector<1x16xf32>,
      %get3A_281 = vector.shape_cast %get3A_280 : vector<1x16xf32> to vector<16xf32>
      %mul3A_282 = arith.mulf %get3A_277, %get3A_281 : vector<16xf32>
      %swap3A_283 = arith.index_cast %scan3A_218 : i32 to index
      %swap3A_284 = arith.constant 64 : index
      %swap3A_285 = tpu.vector_load %arg14[%swap3A_283, %swap3A_284] {strides = array<i32>} : memref<80x128xf32, #tpu.memory_space<vmem>>, vector<1x16xf32>,
      %swap3A_286 = vector.shape_cast %swap3A_285 : vector<1x16xf32> to vector<16xf32>
      %swap3A_287 = vector.shape_cast %mul3A_282 : vector<16xf32> to vector<1x16xf32>
      tpu.vector_store %arg14[%swap3A_283, %swap3A_284], %swap3A_287 {strides = array<i32>} : memref<80x128xf32, #tpu.memory_space<vmem>>, vector<1x16xf32>,
      %get3A_288 = arith.index_cast %scan3A_218 : i32 to index
      %get3A_289 = arith.constant 80 : index
      %get3A_290 = tpu.vector_load %arg14[%get3A_288, %get3A_289] {strides = array<i32>} : memref<80x128xf32, #tpu.memory_space<vmem>>, vector<1x16xf32>,
      %get3A_291 = vector.shape_cast %get3A_290 : vector<1x16xf32> to vector<16xf32>
      %get3A_292 = arith.index_cast %scan3A_218 : i32 to index
      %get3A_293 = arith.constant 80 : index
      %get3A_294 = tpu.vector_load %arg15[%get3A_292, %get3A_293] {strides = array<i32>} : memref<80x128xf32, #tpu.memory_space<vmem>>, vector<1x16xf32>,
      %get3A_295 = vector.shape_cast %get3A_294 : vector<1x16xf32> to vector<16xf32>
      %mul3A_296 = arith.mulf %get3A_291, %get3A_295 : vector<16xf32>
      %swap3A_297 = arith.index_cast %scan3A_218 : i32 to index
      %swap3A_298 = arith.constant 80 : index
      %swap3A_299 = tpu.vector_load %arg14[%swap3A_297, %swap3A_298] {strides = array<i32>} : memref<80x128xf32, #tpu.memory_space<vmem>>, vector<1x16xf32>,
      %swap3A_300 = vector.shape_cast %swap3A_299 : vector<1x16xf32> to vector<16xf32>
      %swap3A_301 = vector.shape_cast %mul3A_296 : vector<16xf32> to vector<1x16xf32>
      tpu.vector_store %arg14[%swap3A_297, %swap3A_298], %swap3A_301 {strides = array<i32>} : memref<80x128xf32, #tpu.memory_space<vmem>>, vector<1x16xf32>,
      %get3A_302 = arith.index_cast %scan3A_218 : i32 to index
      %get3A_303 = arith.constant 96 : index
      %get3A_304 = tpu.vector_load %arg14[%get3A_302, %get3A_303] {strides = array<i32>} : memref<80x128xf32, #tpu.memory_space<vmem>>, vector<1x16xf32>,
      %get3A_305 = vector.shape_cast %get3A_304 : vector<1x16xf32> to vector<16xf32>
      %get3A_306 = arith.index_cast %scan3A_218 : i32 to index
      %get3A_307 = arith.constant 96 : index
      %get3A_308 = tpu.vector_load %arg15[%get3A_306, %get3A_307] {strides = array<i32>} : memref<80x128xf32, #tpu.memory_space<vmem>>, vector<1x16xf32>,
      %get3A_309 = vector.shape_cast %get3A_308 : vector<1x16xf32> to vector<16xf32>
      %mul3A_310 = arith.mulf %get3A_305, %get3A_309 : vector<16xf32>
      %swap3A_311 = arith.index_cast %scan3A_218 : i32 to index
      %swap3A_312 = arith.constant 96 : index
      %swap3A_313 = tpu.vector_load %arg14[%swap3A_311, %swap3A_312] {strides = array<i32>} : memref<80x128xf32, #tpu.memory_space<vmem>>, vector<1x16xf32>,
      %swap3A_314 = vector.shape_cast %swap3A_313 : vector<1x16xf32> to vector<16xf32>
      %swap3A_315 = vector.shape_cast %mul3A_310 : vector<16xf32> to vector<1x16xf32>
      tpu.vector_store %arg14[%swap3A_311, %swap3A_312], %swap3A_315 {strides = array<i32>} : memref<80x128xf32, #tpu.memory_space<vmem>>, vector<1x16xf32>,
      %get3A_316 = arith.index_cast %scan3A_218 : i32 to index
      %get3A_317 = arith.constant 112 : index
      %get3A_318 = tpu.vector_load %arg14[%get3A_316, %get3A_317] {strides = array<i32>} : memref<80x128xf32, #tpu.memory_space<vmem>>, vector<1x16xf32>,
      %get3A_319 = vector.shape_cast %get3A_318 : vector<1x16xf32> to vector<16xf32>
      %get3A_320 = arith.index_cast %scan3A_218 : i32 to index
      %get3A_321 = arith.constant 112 : index
      %get3A_322 = tpu.vector_load %arg15[%get3A_320, %get3A_321] {strides = array<i32>} : memref<80x128xf32, #tpu.memory_space<vmem>>, vector<1x16xf32>,
      %get3A_323 = vector.shape_cast %get3A_322 : vector<1x16xf32> to vector<16xf32>
      %mul3A_324 = arith.mulf %get3A_319, %get3A_323 : vector<16xf32>
      %swap3A_325 = arith.index_cast %scan3A_218 : i32 to index
      %swap3A_326 = arith.constant 112 : index
      %swap3A_327 = tpu.vector_load %arg14[%swap3A_325, %swap3A_326] {strides = array<i32>} : memref<80x128xf32, #tpu.memory_space<vmem>>, vector<1x16xf32>,
      %swap3A_328 = vector.shape_cast %swap3A_327 : vector<1x16xf32> to vector<16xf32>
      %swap3A_329 = vector.shape_cast %mul3A_324 : vector<16xf32> to vector<1x16xf32>
      tpu.vector_store %arg14[%swap3A_325, %swap3A_326], %swap3A_329 {strides = array<i32>} : memref<80x128xf32, #tpu.memory_space<vmem>>, vector<1x16xf32>,
      %scan3A_330 = arith.constant 0 : i32
      scf.yield %scan3A_330 : i32
    }
    %scan3A_168 = arith.constant 80 : i32
    %add3A_169 = arith.constant 9840 : i32
    %add3A_170 = arith.addi %mul3A_2, %add3A_169 : i32
    %dma_start3A_171 = arith.constant 0 : i32
    %dma_start3A_172 = tpu.memref_slice %arg5[%add3A_170, %dma_start3A_171] : memref<320000x128xf32, #tpu.memory_space<hbm>> -> memref<80x128xf32, #tpu.memory_space<hbm>>
    %dma_start3A_173 = arith.constant 0 : i32
    %dma_start3A_174 = tpu.memref_slice %arg5[%add3A_170, %dma_start3A_173] : memref<320000x128xf32, #tpu.memory_space<hbm>> -> memref<80x128xf32, #tpu.memory_space<hbm>>
    tpu.enqueue_dma source(%arg14 : memref<80x128xf32, #tpu.memory_space<vmem>>) target(%dma_start3A_174 : memref<80x128xf32, #tpu.memory_space<hbm>>) target_semaphore(%arg27 : memref<!tpu.dma_semaphore, #tpu.memory_space<semaphore_mem>>)
    %dma_wait3A_175 = arith.constant 0 : i32
    %dma_wait3A_176 = arith.constant 0 : i32
    %dma_wait3A_177 = tpu.memref_slice %arg5[%dma_wait3A_175, %dma_wait3A_176] : memref<320000x128xf32, #tpu.memory_space<hbm>> -> memref<80x128xf32, #tpu.memory_space<hbm>>
    %dma_wait3A_178 = arith.constant 0 : i32
    %dma_wait3A_179 = arith.constant 0 : i32
    %dma_wait3A_180 = tpu.memref_slice %arg5[%dma_wait3A_178, %dma_wait3A_179] : memref<320000x128xf32, #tpu.memory_space<hbm>> -> memref<80x128xf32, #tpu.memory_space<hbm>>
    tpu.wait_dma2 semaphore(%arg26 : memref<!tpu.dma_semaphore, #tpu.memory_space<semaphore_mem>>) src(%dma_wait3A_180 : memref<80x128xf32, #tpu.memory_space<hbm>>) dst(%arg12 : memref<80x128xf32, #tpu.memory_space<vmem>>)
    %dma_wait3A_181 = arith.constant 0 : i32
    %dma_wait3A_182 = arith.constant 0 : i32
    %dma_wait3A_183 = tpu.memref_slice %arg5[%dma_wait3A_181, %dma_wait3A_182] : memref<320000x128xf32, #tpu.memory_space<hbm>> -> memref<80x128xf32, #tpu.memory_space<hbm>>
    %dma_wait3A_184 = arith.constant 0 : i32
    %dma_wait3A_185 = arith.constant 0 : i32
    %dma_wait3A_186 = tpu.memref_slice %arg5[%dma_wait3A_184, %dma_wait3A_185] : memref<320000x128xf32, #tpu.memory_space<hbm>> -> memref<80x128xf32, #tpu.memory_space<hbm>>
    tpu.wait_dma2 semaphore(%arg16 : memref<!tpu.dma_semaphore, #tpu.memory_space<semaphore_mem>>) src(%dma_wait3A_186 : memref<80x128xf32, #tpu.memory_space<hbm>>) dst(%arg8 : memref<80x128xf32, #tpu.memory_space<vmem>>)
    %dma_wait3A_187 = arith.constant 0 : i32
    %dma_wait3A_188 = arith.constant 0 : i32
    %dma_wait3A_189 = tpu.memref_slice %arg5[%dma_wait3A_187, %dma_wait3A_188] : memref<320000x128xf32, #tpu.memory_space<hbm>> -> memref<80x128xf32, #tpu.memory_space<hbm>>
    %dma_wait3A_190 = arith.constant 0 : i32
    %dma_wait3A_191 = arith.constant 0 : i32
    %dma_wait3A_192 = tpu.memref_slice %arg5[%dma_wait3A_190, %dma_wait3A_191] : memref<320000x128xf32, #tpu.memory_space<hbm>> -> memref<80x128xf32, #tpu.memory_space<hbm>>
    tpu.wait_dma2 semaphore(%arg17 : memref<!tpu.dma_semaphore, #tpu.memory_space<semaphore_mem>>) src(%dma_wait3A_192 : memref<80x128xf32, #tpu.memory_space<hbm>>) dst(%arg9 : memref<80x128xf32, #tpu.memory_space<vmem>>)
    %scan3A_193 = arith.constant 0 : i32
    %scan3A_194 = arith.constant 0 : i32
    %scan3A_195 = arith.constant 80 : i32
    %scan3A_196 = arith.addi %scan3A_194, %scan3A_195 : i32
    %scan3A_197 = arith.constant 1 : i32
    %scan3A_198 = scf.for %scan3A_218 = %scan3A_194 to %scan3A_196 step %scan3A_197 iter_args(%scan3A_219 = %scan3A_193) -> (i32)  : i32 {
      %get3A = arith.index_cast %scan3A_218 : i32 to index
      %get3A_220 = arith.constant 0 : index
      %get3A_221 = tpu.vector_load %arg8[%get3A, %get3A_220] {strides = array<i32>} : memref<80x128xf32, #tpu.memory_space<vmem>>, vector<1x16xf32>,
      %get3A_222 = vector.shape_cast %get3A_221 : vector<1x16xf32> to vector<16xf32>
      %get3A_223 = arith.index_cast %scan3A_218 : i32 to index
      %get3A_224 = arith.constant 0 : index
      %get3A_225 = tpu.vector_load %arg9[%get3A_223, %get3A_224] {strides = array<i32>} : memref<80x128xf32, #tpu.memory_space<vmem>>, vector<1x16xf32>,
      %get3A_226 = vector.shape_cast %get3A_225 : vector<1x16xf32> to vector<16xf32>
      %mul3A_227 = arith.mulf %get3A_222, %get3A_226 : vector<16xf32>
      %swap3A = arith.index_cast %scan3A_218 : i32 to index
      %swap3A_228 = arith.constant 0 : index
      %swap3A_229 = tpu.vector_load %arg8[%swap3A, %swap3A_228] {strides = array<i32>} : memref<80x128xf32, #tpu.memory_space<vmem>>, vector<1x16xf32>,
      %swap3A_230 = vector.shape_cast %swap3A_229 : vector<1x16xf32> to vector<16xf32>
      %swap3A_231 = vector.shape_cast %mul3A_227 : vector<16xf32> to vector<1x16xf32>
      tpu.vector_store %arg8[%swap3A, %swap3A_228], %swap3A_231 {strides = array<i32>} : memref<80x128xf32, #tpu.memory_space<vmem>>, vector<1x16xf32>,
      %get3A_232 = arith.index_cast %scan3A_218 : i32 to index
      %get3A_233 = arith.constant 16 : index
      %get3A_234 = tpu.vector_load %arg8[%get3A_232, %get3A_233] {strides = array<i32>} : memref<80x128xf32, #tpu.memory_space<vmem>>, vector<1x16xf32>,
      %get3A_235 = vector.shape_cast %get3A_234 : vector<1x16xf32> to vector<16xf32>
      %get3A_236 = arith.index_cast %scan3A_218 : i32 to index
      %get3A_237 = arith.constant 16 : index
      %get3A_238 = tpu.vector_load %arg9[%get3A_236, %get3A_237] {strides = array<i32>} : memref<80x128xf32, #tpu.memory_space<vmem>>, vector<1x16xf32>,
      %get3A_239 = vector.shape_cast %get3A_238 : vector<1x16xf32> to vector<16xf32>
      %mul3A_240 = arith.mulf %get3A_235, %get3A_239 : vector<16xf32>
      %swap3A_241 = arith.index_cast %scan3A_218 : i32 to index
      %swap3A_242 = arith.constant 16 : index
      %swap3A_243 = tpu.vector_load %arg8[%swap3A_241, %swap3A_242] {strides = array<i32>} : memref<80x128xf32, #tpu.memory_space<vmem>>, vector<1x16xf32>,
      %swap3A_244 = vector.shape_cast %swap3A_243 : vector<1x16xf32> to vector<16xf32>
      %swap3A_245 = vector.shape_cast %mul3A_240 : vector<16xf32> to vector<1x16xf32>
      tpu.vector_store %arg8[%swap3A_241, %swap3A_242], %swap3A_245 {strides = array<i32>} : memref<80x128xf32, #tpu.memory_space<vmem>>, vector<1x16xf32>,
      %get3A_246 = arith.index_cast %scan3A_218 : i32 to index
      %get3A_247 = arith.constant 32 : index
      %get3A_248 = tpu.vector_load %arg8[%get3A_246, %get3A_247] {strides = array<i32>} : memref<80x128xf32, #tpu.memory_space<vmem>>, vector<1x16xf32>,
      %get3A_249 = vector.shape_cast %get3A_248 : vector<1x16xf32> to vector<16xf32>
      %get3A_250 = arith.index_cast %scan3A_218 : i32 to index
      %get3A_251 = arith.constant 32 : index
      %get3A_252 = tpu.vector_load %arg9[%get3A_250, %get3A_251] {strides = array<i32>} : memref<80x128xf32, #tpu.memory_space<vmem>>, vector<1x16xf32>,
      %get3A_253 = vector.shape_cast %get3A_252 : vector<1x16xf32> to vector<16xf32>
      %mul3A_254 = arith.mulf %get3A_249, %get3A_253 : vector<16xf32>
      %swap3A_255 = arith.index_cast %scan3A_218 : i32 to index
      %swap3A_256 = arith.constant 32 : index
      %swap3A_257 = tpu.vector_load %arg8[%swap3A_255, %swap3A_256] {strides = array<i32>} : memref<80x128xf32, #tpu.memory_space<vmem>>, vector<1x16xf32>,
      %swap3A_258 = vector.shape_cast %swap3A_257 : vector<1x16xf32> to vector<16xf32>
      %swap3A_259 = vector.shape_cast %mul3A_254 : vector<16xf32> to vector<1x16xf32>
      tpu.vector_store %arg8[%swap3A_255, %swap3A_256], %swap3A_259 {strides = array<i32>} : memref<80x128xf32, #tpu.memory_space<vmem>>, vector<1x16xf32>,
      %get3A_260 = arith.index_cast %scan3A_218 : i32 to index
      %get3A_261 = arith.constant 48 : index
      %get3A_262 = tpu.vector_load %arg8[%get3A_260, %get3A_261] {strides = array<i32>} : memref<80x128xf32, #tpu.memory_space<vmem>>, vector<1x16xf32>,
      %get3A_263 = vector.shape_cast %get3A_262 : vector<1x16xf32> to vector<16xf32>
      %get3A_264 = arith.index_cast %scan3A_218 : i32 to index
      %get3A_265 = arith.constant 48 : index
      %get3A_266 = tpu.vector_load %arg9[%get3A_264, %get3A_265] {strides = array<i32>} : memref<80x128xf32, #tpu.memory_space<vmem>>, vector<1x16xf32>,
      %get3A_267 = vector.shape_cast %get3A_266 : vector<1x16xf32> to vector<16xf32>
      %mul3A_268 = arith.mulf %get3A_263, %get3A_267 : vector<16xf32>
      %swap3A_269 = arith.index_cast %scan3A_218 : i32 to index
      %swap3A_270 = arith.constant 48 : index
      %swap3A_271 = tpu.vector_load %arg8[%swap3A_269, %swap3A_270] {strides = array<i32>} : memref<80x128xf32, #tpu.memory_space<vmem>>, vector<1x16xf32>,
      %swap3A_272 = vector.shape_cast %swap3A_271 : vector<1x16xf32> to vector<16xf32>
      %swap3A_273 = vector.shape_cast %mul3A_268 : vector<16xf32> to vector<1x16xf32>
      tpu.vector_store %arg8[%swap3A_269, %swap3A_270], %swap3A_273 {strides = array<i32>} : memref<80x128xf32, #tpu.memory_space<vmem>>, vector<1x16xf32>,
      %get3A_274 = arith.index_cast %scan3A_218 : i32 to index
      %get3A_275 = arith.constant 64 : index
      %get3A_276 = tpu.vector_load %arg8[%get3A_274, %get3A_275] {strides = array<i32>} : memref<80x128xf32, #tpu.memory_space<vmem>>, vector<1x16xf32>,
      %get3A_277 = vector.shape_cast %get3A_276 : vector<1x16xf32> to vector<16xf32>
      %get3A_278 = arith.index_cast %scan3A_218 : i32 to index
      %get3A_279 = arith.constant 64 : index
      %get3A_280 = tpu.vector_load %arg9[%get3A_278, %get3A_279] {strides = array<i32>} : memref<80x128xf32, #tpu.memory_space<vmem>>, vector<1x16xf32>,
      %get3A_281 = vector.shape_cast %get3A_280 : vector<1x16xf32> to vector<16xf32>
      %mul3A_282 = arith.mulf %get3A_277, %get3A_281 : vector<16xf32>
      %swap3A_283 = arith.index_cast %scan3A_218 : i32 to index
      %swap3A_284 = arith.constant 64 : index
      %swap3A_285 = tpu.vector_load %arg8[%swap3A_283, %swap3A_284] {strides = array<i32>} : memref<80x128xf32, #tpu.memory_space<vmem>>, vector<1x16xf32>,
      %swap3A_286 = vector.shape_cast %swap3A_285 : vector<1x16xf32> to vector<16xf32>
      %swap3A_287 = vector.shape_cast %mul3A_282 : vector<16xf32> to vector<1x16xf32>
      tpu.vector_store %arg8[%swap3A_283, %swap3A_284], %swap3A_287 {strides = array<i32>} : memref<80x128xf32, #tpu.memory_space<vmem>>, vector<1x16xf32>,
      %get3A_288 = arith.index_cast %scan3A_218 : i32 to index
      %get3A_289 = arith.constant 80 : index
      %get3A_290 = tpu.vector_load %arg8[%get3A_288, %get3A_289] {strides = array<i32>} : memref<80x128xf32, #tpu.memory_space<vmem>>, vector<1x16xf32>,
      %get3A_291 = vector.shape_cast %get3A_290 : vector<1x16xf32> to vector<16xf32>
      %get3A_292 = arith.index_cast %scan3A_218 : i32 to index
      %get3A_293 = arith.constant 80 : index
      %get3A_294 = tpu.vector_load %arg9[%get3A_292, %get3A_293] {strides = array<i32>} : memref<80x128xf32, #tpu.memory_space<vmem>>, vector<1x16xf32>,
      %get3A_295 = vector.shape_cast %get3A_294 : vector<1x16xf32> to vector<16xf32>
      %mul3A_296 = arith.mulf %get3A_291, %get3A_295 : vector<16xf32>
      %swap3A_297 = arith.index_cast %scan3A_218 : i32 to index
      %swap3A_298 = arith.constant 80 : index
      %swap3A_299 = tpu.vector_load %arg8[%swap3A_297, %swap3A_298] {strides = array<i32>} : memref<80x128xf32, #tpu.memory_space<vmem>>, vector<1x16xf32>,
      %swap3A_300 = vector.shape_cast %swap3A_299 : vector<1x16xf32> to vector<16xf32>
      %swap3A_301 = vector.shape_cast %mul3A_296 : vector<16xf32> to vector<1x16xf32>
      tpu.vector_store %arg8[%swap3A_297, %swap3A_298], %swap3A_301 {strides = array<i32>} : memref<80x128xf32, #tpu.memory_space<vmem>>, vector<1x16xf32>,
      %get3A_302 = arith.index_cast %scan3A_218 : i32 to index
      %get3A_303 = arith.constant 96 : index
      %get3A_304 = tpu.vector_load %arg8[%get3A_302, %get3A_303] {strides = array<i32>} : memref<80x128xf32, #tpu.memory_space<vmem>>, vector<1x16xf32>,
      %get3A_305 = vector.shape_cast %get3A_304 : vector<1x16xf32> to vector<16xf32>
      %get3A_306 = arith.index_cast %scan3A_218 : i32 to index
      %get3A_307 = arith.constant 96 : index
      %get3A_308 = tpu.vector_load %arg9[%get3A_306, %get3A_307] {strides = array<i32>} : memref<80x128xf32, #tpu.memory_space<vmem>>, vector<1x16xf32>,
      %get3A_309 = vector.shape_cast %get3A_308 : vector<1x16xf32> to vector<16xf32>
      %mul3A_310 = arith.mulf %get3A_305, %get3A_309 : vector<16xf32>
      %swap3A_311 = arith.index_cast %scan3A_218 : i32 to index
      %swap3A_312 = arith.constant 96 : index
      %swap3A_313 = tpu.vector_load %arg8[%swap3A_311, %swap3A_312] {strides = array<i32>} : memref<80x128xf32, #tpu.memory_space<vmem>>, vector<1x16xf32>,
      %swap3A_314 = vector.shape_cast %swap3A_313 : vector<1x16xf32> to vector<16xf32>
      %swap3A_315 = vector.shape_cast %mul3A_310 : vector<16xf32> to vector<1x16xf32>
      tpu.vector_store %arg8[%swap3A_311, %swap3A_312], %swap3A_315 {strides = array<i32>} : memref<80x128xf32, #tpu.memory_space<vmem>>, vector<1x16xf32>,
      %get3A_316 = arith.index_cast %scan3A_218 : i32 to index
      %get3A_317 = arith.constant 112 : index
      %get3A_318 = tpu.vector_load %arg8[%get3A_316, %get3A_317] {strides = array<i32>} : memref<80x128xf32, #tpu.memory_space<vmem>>, vector<1x16xf32>,
      %get3A_319 = vector.shape_cast %get3A_318 : vector<1x16xf32> to vector<16xf32>
      %get3A_320 = arith.index_cast %scan3A_218 : i32 to index
      %get3A_321 = arith.constant 112 : index
      %get3A_322 = tpu.vector_load %arg9[%get3A_320, %get3A_321] {strides = array<i32>} : memref<80x128xf32, #tpu.memory_space<vmem>>, vector<1x16xf32>,
      %get3A_323 = vector.shape_cast %get3A_322 : vector<1x16xf32> to vector<16xf32>
      %mul3A_324 = arith.mulf %get3A_319, %get3A_323 : vector<16xf32>
      %swap3A_325 = arith.index_cast %scan3A_218 : i32 to index
      %swap3A_326 = arith.constant 112 : index
      %swap3A_327 = tpu.vector_load %arg8[%swap3A_325, %swap3A_326] {strides = array<i32>} : memref<80x128xf32, #tpu.memory_space<vmem>>, vector<1x16xf32>,
      %swap3A_328 = vector.shape_cast %swap3A_327 : vector<1x16xf32> to vector<16xf32>
      %swap3A_329 = vector.shape_cast %mul3A_324 : vector<16xf32> to vector<1x16xf32>
      tpu.vector_store %arg8[%swap3A_325, %swap3A_326], %swap3A_329 {strides = array<i32>} : memref<80x128xf32, #tpu.memory_space<vmem>>, vector<1x16xf32>,
      %scan3A_330 = arith.constant 0 : i32
      scf.yield %scan3A_330 : i32
    }
    %scan3A_199 = arith.constant 80 : i32
    %add3A_200 = arith.constant 9920 : i32
    %add3A_201 = arith.addi %mul3A_2, %add3A_200 : i32
    %dma_start3A_202 = arith.constant 0 : i32
    %dma_start3A_203 = tpu.memref_slice %arg5[%add3A_201, %dma_start3A_202] : memref<320000x128xf32, #tpu.memory_space<hbm>> -> memref<80x128xf32, #tpu.memory_space<hbm>>
    %dma_start3A_204 = arith.constant 0 : i32
    %dma_start3A_205 = tpu.memref_slice %arg5[%add3A_201, %dma_start3A_204] : memref<320000x128xf32, #tpu.memory_space<hbm>> -> memref<80x128xf32, #tpu.memory_space<hbm>>
    tpu.enqueue_dma source(%arg8 : memref<80x128xf32, #tpu.memory_space<vmem>>) target(%dma_start3A_205 : memref<80x128xf32, #tpu.memory_space<hbm>>) target_semaphore(%arg24 : memref<!tpu.dma_semaphore, #tpu.memory_space<semaphore_mem>>)
    %dma_wait3A_206 = arith.constant 0 : i32
    %dma_wait3A_207 = arith.constant 0 : i32
    %dma_wait3A_208 = tpu.memref_slice %arg5[%dma_wait3A_206, %dma_wait3A_207] : memref<320000x128xf32, #tpu.memory_space<hbm>> -> memref<80x128xf32, #tpu.memory_space<hbm>>
    %dma_wait3A_209 = arith.constant 0 : i32
    %dma_wait3A_210 = arith.constant 0 : i32
    %dma_wait3A_211 = tpu.memref_slice %arg5[%dma_wait3A_209, %dma_wait3A_210] : memref<320000x128xf32, #tpu.memory_space<hbm>> -> memref<80x128xf32, #tpu.memory_space<hbm>>
    tpu.wait_dma2 semaphore(%arg27 : memref<!tpu.dma_semaphore, #tpu.memory_space<semaphore_mem>>) src(%dma_wait3A_211 : memref<80x128xf32, #tpu.memory_space<hbm>>) dst(%arg14 : memref<80x128xf32, #tpu.memory_space<vmem>>)
    %dma_wait3A_212 = arith.constant 0 : i32
    %dma_wait3A_213 = arith.constant 0 : i32
    %dma_wait3A_214 = tpu.memref_slice %arg5[%dma_wait3A_212, %dma_wait3A_213] : memref<320000x128xf32, #tpu.memory_space<hbm>> -> memref<80x128xf32, #tpu.memory_space<hbm>>
    %dma_wait3A_215 = arith.constant 0 : i32
    %dma_wait3A_216 = arith.constant 0 : i32
    %dma_wait3A_217 = tpu.memref_slice %arg5[%dma_wait3A_215, %dma_wait3A_216] : memref<320000x128xf32, #tpu.memory_space<hbm>> -> memref<80x128xf32, #tpu.memory_space<hbm>>
    tpu.wait_dma2 semaphore(%arg24 : memref<!tpu.dma_semaphore, #tpu.memory_space<semaphore_mem>>) src(%dma_wait3A_217 : memref<80x128xf32, #tpu.memory_space<hbm>>) dst(%arg8 : memref<80x128xf32, #tpu.memory_space<vmem>>)
    return
  }
}

</mosaic_0001>

<sc_bundles>
// kernel: _edge_attn.3.cloned.1.call-start
scs
__scs_entry_jumppad:
0x0: {  	(pc) =	sbr.rel $0x88, $3  }
0x1: {  	(tag) =	ssettag $0x0;
	lr =	simm.s32 $0x1  }
0x2: {  	[smem:$0x3F9E] =	sst lr;
	_ =	strace $0xD0000000  }
0x3: {  	_ = 	snop  }
0x4: {  	_ = 	snop  }
0x5: {  	_ = 	snop  }
0x6: {  	_ = 	snop  }
0x7: {  	_ = 	snop  }
__scs_overlays_trampoline_lowered:
0x8: {  	[smem:$0x3FAD] =	sst s0  }
0x9: {  	[smem:$0x3FAE] =	sst s1  }
0xa: {  	[smem:$0x3FAF] =	sst s2  }
0xb: {  	[smem:$0x3FB0] =	sst s3  }
0xc: {  	[smem:$0x3FB1] =	sst s4  }
0xd: {  	[smem:$0x3FB2] =	sst s5  }
0xe: {  	[smem:$0x3FB3] =	sst s6  }
0xf: {  	[smem:$0x3FB4] =	sst s7  }
0x10: {  	[smem:$0x3FB5] =	sst s8  }
0x11: {  	[smem:$0x3FB6] =	sst s9;
	s0 =	simm.s32 @!p0 $0x0  }
0x12: {  	s1 =	sld [smem:$0x3F9C];
	s0 =	simm.s32 @p0 $0x1  }
0x13: {  	[smem:$0x3FB7] =	sst s0;
	s0 =	simm.s32 @!p1 $0x0  }
0x14: {  	s2 =	sld [smem:$0x3F9B];
	s0 =	simm.s32 @p1 $0x1  }
0x15: {  	[smem:$0x3FB8] =	sst s0;
	s0 =	simm.s32 @!p2 $0x0  }
0x16: {  	s3 =	sld [smem:$0x3FDB];
	s0 =	simm.s32 @p2 $0x1  }
0x17: {  	s4 =	simm.s32 $0x1BF5;
	[smem:$0x3FBA] =	sst s0  }
0x18: {  	s0 =	sld [smem:$0x3F9D];
	_ =	swait.ge [sflag:s4], $0x0  }
0x19: {  	s7 =	sld [smem:$0x3F9E]  }
0x1a: {  	s8 =	sadd.s32 $0xFFFFE003, lr  }
0x1b: {  	s9 =	sadd.s32 $0xFFFFFEF7, lr;
	s5 =	simm.s32 $0xFFFFFFFF;
	p2 =	slt.u32 s8, $0xFFFFF086  }
0x1c: {  	p1 =	slt.u32 s9, $0xF7A;
	s5 =	simm.s32 @!p2 $0x0  }
0x1d: {  	s5 =	simm.s32 @p1 $0x1;
	p0 =	seq.s32 s7, s2  }
0x1e: {  	s7 =	smul.u32 @!p0 $0xF7A, s2;
	p2 =	seq.s32 @!p0 s5, $0x0  }
0x1f: {  	s9 =	smul.u32 $0xF7A, s1;
	s8 =	simm.s32 @!p0 $0x1BF5;
	p2 =	por !p2, p0  }
0x20: {  	[sflag:s8] =	ssyncset.s32 @!p0 $0xFFFFF086;
	s6 =	sadd.s32 @!p0 s3, s7;
	s7 =	simm.s32 @!p0 $0x108  }
0x21: {  	s3 =	sadd.s32 s3, s9;
	s6 =	sadd.s32 @!p0 $0x88, s6;
	s7 =	simm.s32 @p2 $0x1082  }
0x22: {  	[simem:s7], [sflag:s8] =	dma.local @!p0 [hbm:s6], $0xF7A  }
0x23: {  	s9 =	sor.u32 $0xD0000000, s2;
	s6 =	simm.s32 $0x108;
	_ =	swait.ge @!p0 [sflag:s8], $0x0  }
0x24: {  	s3 =	sadd.s32 $0x88, s3;
	s6 =	simm.s32 @!p1 $0x1082;
	[sflag:s4] =	ssyncset.s32 $0xFFFFF086  }
0x25: {  	[simem:s6], [sflag:s4] =	dma.local [hbm:s3], $0xF7A  }
0x26: {  	[smem:$0x3F9E] =	sst s1;
	(tag) =	ssettag s2;
	_ =	strace s9  }
0x27: {  	s1 =	sld [smem:$0x3FAE]  }
0x28: {  	s2 =	sld [smem:$0x3FAF]  }
0x29: {  	s4 =	sld [smem:$0x3FB1]  }
0x2a: {  	p0 =	seq.s32 s5, $0x0;
	s5 =	sld [smem:$0x3FB2]  }
0x2b: {  	s6 =	sld [smem:$0x3FB3]  }
0x2c: {  	s7 =	sld [smem:$0x3FB4]  }
0x2d: {  	s3 =	simm.s32 $0x108;
	s8 =	sld [smem:$0x3FB5]  }
0x2e: {  	s3 =	simm.s32 @!p0 $0x1082;
	s9 =	sld [smem:$0x3FB6]  }
0x2f: {  	lr =	sadd.s32 s0, s3;
	s0 =	sld [smem:$0x3FAD]  }
0x30: {  	s3 =	sld [smem:$0x3FB0]  }
0x31: {  	[smem:$0x3FB9] =	sst s10  }
0x32: {  	s10 =	sld [smem:$0x3FB7];
	_ =	sdelay $0x3  }
0x33: {  	p0 =	seq.s32 s10, $0x1;
	s10 =	sld [smem:$0x3FB9];
	_ =	sdelay $0x3  }
0x34: {  	[smem:$0x3FB9] =	sst s10  }
0x35: {  	s10 =	sld [smem:$0x3FB8];
	_ =	sdelay $0x3  }
0x36: {  	p1 =	seq.s32 s10, $0x1;
	s10 =	sld [smem:$0x3FB9];
	_ =	sdelay $0x3  }
0x37: {  	[smem:$0x3FB9] =	sst s10  }
0x38: {  	s10 =	sld [smem:$0x3FBA]  }
0x39: {  	_ = 	snop;
	(pc) =	sbr.ind lr, $3  }
0x3a: {  	_ = 	snop  }
0x3b: {  	_ = 	snop  }
0x3c: {  	p2 =	seq.s32 s10, $0x1;
	s10 =	sld [smem:$0x3FB9]  }
0x3d: {  	_ =	shalt  }
0x3e: {  	_ =	shalt  }
0x3f: {  	_ =	shalt  }
0x40: {  	_ =	shalt  }
0x41: {  	_ =	shalt  }
0x42: {  	_ =	shalt  }
0x43: {  	_ =	shalt  }
0x44: {  	_ =	shalt  }
0x45: {  	_ =	shalt  }
0x46: {  	_ =	shalt  }
0x47: {  	_ =	shalt  }
0x48: {  	_ =	shalt  }
0x49: {  	_ =	shalt  }
0x4a: {  	_ =	shalt  }
0x4b: {  	_ =	shalt  }
0x4c: {  	_ =	shalt  }
0x4d: {  	_ =	shalt  }
0x4e: {  	_ =	shalt  }
0x4f: {  	_ =	shalt  }
0x50: {  	_ =	shalt  }
0x51: {  	_ =	shalt  }
0x52: {  	_ =	shalt  }
0x53: {  	_ =	shalt  }
0x54: {  	_ =	shalt  }
0x55: {  	_ =	shalt  }
0x56: {  	_ =	shalt  }
0x57: {  	_ =	shalt  }
0x58: {  	_ =	shalt  }
0x59: {  	_ =	shalt  }
0x5a: {  	_ =	shalt  }
0x5b: {  	_ =	shalt  }
0x5c: {  	_ =	shalt  }
0x5d: {  	_ =	shalt  }
0x5e: {  	_ =	shalt  }
0x5f: {  	_ =	shalt  }
0x60: {  	_ =	shalt  }
0x61: {  	_ =	shalt  }
0x62: {  	_ =	shalt  }
0x63: {  	_ =	shalt  }
0x64: {  	_ =	shalt  }
0x65: {  	_ =	shalt  }
0x66: {  	_ =	shalt  }
0x67: {  	_ =	shalt  }
0x68: {  	_ =	shalt  }
0x69: {  	_ =	shalt  }
0x6a: {  	_ =	shalt  }
0x6b: {  	_ =	shalt  }
0x6c: {  	_ =	shalt  }
0x6d: {  	_ =	shalt  }
0x6e: {  	_ =	shalt  }
0x6f: {  	_ =	shalt  }
0x70: {  	_ =	shalt  }
0x71: {  	_ =	shalt  }
0x72: {  	_ =	shalt  }
0x73: {  	_ =	shalt  }
0x74: {  	_ =	shalt  }
0x75: {  	_ =	shalt  }
0x76: {  	_ =	shalt  }
0x77: {  	_ =	shalt  }
0x78: {  	_ =	shalt  }
0x79: {  	_ =	shalt  }
0x7a: {  	_ =	shalt  }
0x7b: {  	_ =	shalt  }
0x7c: {  	_ =	shalt  }
0x7d: {  	_ =	shalt  }
0x7e: {  	_ =	shalt  }
0x7f: {  	_ =	shalt  }
0x80: {  	_ =	shalt  }
0x81: {  	_ =	shalt  }
0x82: {  	_ =	shalt  }
0x83: {  	_ =	shalt  }
0x84: {  	_ =	shalt  }
0x85: {  	_ =	shalt  }
0x86: {  	_ =	shalt  }
0x87: {  	_ =	shalt  }
.Lfunc_end0:
.L_simem_size_0:
called_computation_lowered:
.L_overlay_start_0:
0x88: {  	s2 =	sld [smem:$0x3FD9]  }
0x89: {  	s3 =	sld [smem:$0x3FFE];
	_ =	sdelay $0x1  }
0x8a: {  	s1 =	srdreg.scid  }
0x8b: {  	s0 =	sand.u32 $0x1, s1  }
0x8c: {  	s18 =	sshll.u32 s0, $0xA;
	s2 =	sadd.s32 s3, s2  }
0x8d: {  	s2 =	sadd.s32 s2, s18  }
0x8e: {  	[smem:$0x3FC5] =	sst s2  }
0x8f: {  	_ = 	snop  }
0x90: {  	s2 =	sld [smem:$0x3FC9]  }
0x91: {  	s19 =	sld [smem:$0x3FC8]  }
0x92: {  	s4 =	sld [smem:$0x3FC7]  }
0x93: {  	s5 =	sld [smem:$0x3FD0];
	(tm) =	ssettm $0x1  }
0x94: {  	s6 =	sld [smem:$0x3FFB];
	_ =	sdelay $0x3  }
0x95: {  	_ =	strace s6  }
0x96: {  	s6 =	sld [smem:$0x3FFC];
	_ =	sdelay $0x3  }
0x97: {  	_ =	strace s6  }
0x98: {  	s6 =	sld [smem:$0x3FFD];
	_ =	sdelay $0x3  }
0x99: {  	_ =	strace s6  }
0x9a: {  	_ =	strace $0x8FFFFFFF  }
0x9b: {  	s20 =	sld [smem:$0x3FDB];
	_ =	sdelay $0x1  }
0x9c: {  	s7 =	simm.s32 $_scs_section_size  }
0x9d: {  	s8 =	simm.s32 $_size__tile_overlayer_lowered;
	s9 =	simm.s32 $_tile_overlayer_lowered  }
0x9e: {  	s23 =	simm.s32 $0x1BFF;
	s22 =	sshll.u32 s9, $0x1;
	s6 =	sadd.s32 s7, s20  }
0x9f: {  	s10 =	simm.s32 $0x0;
	s21 =	sshll.u32 s8, $0x1;
	s8 =	sadd.s32 s22, s6  }
0xa0: {  	[timem:s10], [sflag:s23] =	dma.local [hbm:s8], s21  }
0xa1: {  	_ =	swait.ge [sflag:s23], s21  }
0xa2: {  	s7 =	ssub.s32 $0x0, s21;
	[sflag:s23] =	ssyncset.done $0x0  }
0xa3: {  	[sflag:s23] =	ssyncadd.s32 s7;
	_ =	sdelay $0x1  }
0xa4: {  	s24 =	simm.s32 $0x1B8B  }
0xa5: {  	_ =	swait.ge [sflag:s24], $0x1  }
0xa6: {  	[sflag:s24] =	ssyncset.done $0x0  }
0xa7: {  	s25 =	simm.s32 $0x1B8E;
	[sflag:s24] =	ssyncadd.s32 $0xFFFFFFFF  }
0xa8: {  	s26 =	simm.s32 $execute0_lowered;
	[smem:$0x3FD2] =	sst s25  }
0xa9: {  	s7 =	sshll.u32 s26, $0x1;
	_ =	strace $0x80000046;
	[dreg:$0x1] =	wrdreg $0xFFFFFFFF  }
0xaa: {  	s28 =	simm.s32 $_size_execute0_lowered;
	s6 =	sadd.s32 s6, s7;
	[dreg:$0x0] =	wrdreg $0x0  }
0xab: {  	s7 =	sshll.u32 s28, $0x1;
	[dreg:$0x2] =	wrdreg s6  }
0xac: {  	[dreg:$0x3] =	wrdreg s7  }
0xad: {  	[dreg:$0x4] =	wrdreg $0xC0  }
0xae: {  	_ =	task [dreg:s10], $0x5FFFF  }
0xaf: {  	[dreg:$0x1] =	wrdreg $0xFFFFFFFF  }
0xb0: {  	[dreg:$0x0] =	wrdreg $0x60  }
0xb1: {  	[dreg:$0x2] =	wrdreg s2  }
0xb2: {  	[dreg:$0x3] =	wrdreg s19  }
0xb3: {  	[dreg:$0x4] =	wrdreg s4  }
0xb4: {  	[dreg:$0x5] =	wrdreg s5  }
0xb5: {  	[dreg:$0x6] =	wrdreg $0x9  }
0xb6: {  	_ =	task.clear_ibuf [dreg:s10], $0x7FFFF;
	_ =	strace $0x90000046  }
0xb7: {  	s29 =	simm.s32 $0x9;
	_ =	strace $0x80000048  }
0xb8: {  	_ =	swait.ge [sflag:s29], $0x1  }
0xb9: {  	[sflag:s29] =	ssyncadd.s32 $0xFFFFFFFF  }
0xba: {  	_ =	strace $0x90000048  }
0xbb: {  	_ =	sfence  }
0xbc: {  	s30 =	sld [smem:$0x0];
	_ =	sdelay $0x2  }
0xbd: {  	s31 =	sshll.u32 s1, $0xD;
	s1 =	sshrl.u32 s1, $0x2  }
0xbe: {  	s3 =	sand.u32 $0x4000, s31;
	s1 =	sadd.s32 s1, s30  }
0xbf: {  	s0 =	sor.u32 s3, s0;
	s1 =	sshll.u32 s1, $0x11  }
0xc0: {  	s0 =	sor.u32 s1, s0  }
0xc1: {  	s0 =	sadd.s32 $0x8F2B, s0  }
0xc2: {  	[sflag:s0] =	ssyncadd.remote.s32 $0x1  }
0xc3: {  	_ =	sfence.sel $0xFFFF  }
0xc4: {  	[dreg:$0x0] =	wrdreg $0xFFFFFFFF;
	(pc) =	sbr.abs _section_cstart, $3  }
0xc5: {  	[dreg:$0x1] =	wrdreg $0xFFFFFFFF  }
0xc6: {  	_ =	task.clear_ibuf [dreg:s10], $0x2FFFF;
	_ =	strace $0x9FFFFFFF  }
0xc7: {  	(tm) =	ssettm $0x7FFFFFFF  }
tec
execute0_lowered:
.L_overlay_start_1:
0x0: {  	(tag) =	ssettag $0x1  }
0x1: {  	s1 =	rddreg [dreg:$0x0]  }
0x2: {  	s0 =	rddreg [dreg:$0x1]  }
0x3: {  	s2 =	srdreg.scid;
	s3 =	stileid.u32  }
0x4: {  	s6 =	rddreg [dreg:$0x2];
	s18 =	simm.s32 $0x50;
	s28 =	simm.s32 $0x11700  }
0x5: {  	s29 =	simm.s32 $0x1;
	s30 =	simm.s32 $0x2;
	s31 =	simm.s32 $0x13F00  }
0x6: {  	s17 =	simm.s32 $0x6;
	s2 =	sand.u32 $0x1, s2;
	s4 =	sshll.u32 s3, $0x1  }
0x7: {  	s10 =	simm.s32 $0x8;
	s11 =	simm.s32 $0xB;
	s7 =	sor.u32 s2, s4  }
0x8: {  	s13 =	simm.s32 $0x0;
	s4 =	simm.s32 $0x0;
	s5 =	smul.u32 $0x2710, s7  }
0x9: {  	s2 =	ssub.s32 $0x2, s2;
	[smem:$0x7FF] =	sst s4;
	s7 =	smul.u32 $0x138800, s7  }
0xa: {  	s3 =	rddreg [dreg:$0x3];
	s8 =	sshrl.u32 s2, $0x1;
	_ =	strace $0x80000047  }
0xb: {  	s2 =	ssub.s32 s2, s8;
	s19 =	sshrl.u32 s5, $0x3;
	s7 =	sshrl.u32 s7, $0x3  }
0xc: {  	s8 =	sadd.s32 $0x50, s5;
	s9 =	sadd.s32 $0xA0, s5;
	s26 =	smax.u32 s2, $0x1  }
0xd: {  	s2 =	simm.s32 $0x16700;
	s0 =	sadd.s32 s0, s19;
	[dreg:$0xc] =	wrdreg s26  }
0xe: {  	s20 =	sadd.s32 s6, s19;
	s21 =	sadd.s32 s3, s7;
	[dreg:$0x5] =	wrdreg s0  }
0xf: {  	s19 =	simm.s32 $0x4F00;
	[dreg:$0x6] =	wrdreg s20;
	s22 =	sadd.s32 $0x25800, s21  }
0x10: {  	s26 =	simm.s32 $0x5;
	s23 =	sadd.s32 $0x25D00, s21;
	[dreg:$0x7] =	wrdreg s22  }
0x11: {  	s6 =	simm.s32 $0xA;
	s24 =	sadd.s32 $0x26200, s21;
	[dreg:$0x8] =	wrdreg s23  }
0x12: {  	s7 =	simm.s32 $0x7;
	s25 =	sadd.s32 $0x26700, s21;
	[dreg:$0x9] =	wrdreg s24  }
0x13: {  	s0 =	sadd.s32 $0x26C00, s21;
	s20 =	simm.s32 $0x7700;
	[dreg:$0xa] =	wrdreg s25  }
0x14: {  	s21 =	simm.s32 $0x9F00;
	[dreg:$0xb] =	wrdreg s0;
	s25 =	simm.s32 $0xEF00  }
0x15: {  	s0 =	simm.s32 $0x3;
	s22 =	simm.s32 $0x4;
	s24 =	simm.s32 $0x9  }
.LBB2_1:
0x16: {  	[dreg:$0xd] =	wrdreg s13  }
0x17: {  	s12 =	rddreg [dreg:$0x5];
	s16 =	simm.s32 $0xD  }
0x18: {  	[tilespmem:s4], [sflag:$0xD] =	stream.linear.gather [hbm4b:s12+s4], $0x2710, $0x38;
	[tilespmem:$0x18F00] =	vst v63  }
0x19: {  	_ =	swait.ge [sflag:s16], $0x2710  }
0x1a: {  	[sflag:s16] =	ssyncset.done $0x0  }
0x1b: {  	s14 =	simm.s32 $0x2780;
	s23 =	rddreg [dreg:$0x6];
	[sflag:s16] =	ssyncadd.s32 $0xFFFFD8F0  }
0x1c: {  	[tilespmem:s14], [sflag:$0xD] =	stream.linear.gather [hbm4b:s23+s4], $0x2710, $0x38;
	[tilespmem:$0x18F00] =	vst v63  }
0x1d: {  	_ =	swait.ge [sflag:s16], $0x2710  }
0x1e: {  	[sflag:s16] =	ssyncset.done $0x0  }
0x1f: {  	[sflag:s16] =	ssyncadd.s32 $0xFFFFD8F0  }
0x20: {  	[tilespmem:s19], [sflag:$0x1] =	stream.indirect.gather [hbm4b:s1+s18], $0x80, s4, s18, $0xb8;
	[tilespmem:$0x18F00] =	vst v63  }
0x21: {  	_ = 	snop  }
0x22: {  	[tilespmem:s20], [sflag:$0x2] =	stream.indirect.gather [hbm4b:s1+s18], $0x80, s14, s18, $0xb8;
	[tilespmem:$0x18F00] =	vst v63  }
0x23: {  	_ = 	snop  }
0x24: {  	[tilespmem:s21], [sflag:$0x3] =	stream.indirect.gather [hbm4b:s1+s18], $0x80, s18, s18, $0xb8;
	[tilespmem:$0x18F00] =	vst v63  }
0x25: {  	s15 =	simm.s32 $0xC700;
	s14 =	simm.s32 $0x27D0  }
0x26: {  	[tilespmem:s15], [sflag:$0x4] =	stream.indirect.gather [hbm4b:s1+s18], $0x80, s14, s18, $0xb8;
	[tilespmem:$0x18F00] =	vst v63  }
0x27: {  	s16 =	simm.s32 $0xA0  }
0x28: {  	[tilespmem:s25], [sflag:$0x5] =	stream.indirect.gather [hbm4b:s1+s18], $0x80, s16, s18, $0xb8;
	[tilespmem:$0x18F00] =	vst v63  }
0x29: {  	s23 =	simm.s32 $0x2820;
	s14 =	simm.s32 $0x0  }
0x2a: {  	[tilespmem:s28], [sflag:$0x6] =	stream.indirect.gather [hbm4b:s1+s18], $0x80, s23, s18, $0xb8;
	[tilespmem:$0x18F00] =	vst v63  }
.LBB2_2:
0x2b: {  	_ =	swait.ge [sflag:s29], $0x2800  }
0x2c: {  	[sflag:s29] =	ssyncset.done $0x0  }
0x2d: {  	[sflag:s29] =	ssyncadd.s32 $0xFFFFD800  }
0x2e: {  	_ =	swait.ge [sflag:s30], $0x2800  }
0x2f: {  	[sflag:s30] =	ssyncset.done $0x0  }
0x30: {  	s16 =	simm.s32 $0x0;
	[sflag:s30] =	ssyncadd.s32 $0xFFFFD800  }
0x31: {  	v6 =	vld [tilespmem:s16+$0x7700]  }
0x32: {  	v11 =	vld [tilespmem:s16+$0x7710]  }
0x33: {  	v5 =	vld [tilespmem:s16+$0x7720]  }
0x34: {  	v4 =	vld [tilespmem:s16+$0x7730]  }
0x35: {  	v3 =	vld [tilespmem:s16+$0x7740]  }
0x36: {  	v2 =	vld [tilespmem:s16+$0x7750]  }
0x37: {  	v1 =	vld [tilespmem:s16+$0x7760]  }
0x38: {  	v0 =	vld [tilespmem:s16+$0x7770]  }
0x39: {  	v12 =	vld [tilespmem:s16+$0x4F00]  }
0x3a: {  	v13 =	vld [tilespmem:s16+$0x4F10]  }
0x3b: {  	v10 =	vld [tilespmem:s16+$0x4F20]  }
0x3c: {  	v9 =	vld [tilespmem:s16+$0x4F30]  }
0x3d: {  	v8 =	vld [tilespmem:s16+$0x4F40]  }
0x3e: {  	v7 =	vld [tilespmem:s16+$0x4F50];
	v12 =	vmul.f32 v6, v12  }
0x3f: {  	s12 =	simm.s32 $0x200;
	v11 =	vmul.f32 v11, v13;
	v6 =	vld [tilespmem:s16+$0x4F60]  }
.LBB2_3:
0x40: {  	s13 =	sshra.s32 s12, $0x2;
	p0 =	sne.s32 s12, $0x9E00;
	[tilespmem:s16+$0x4F00] =	vst v12;
	v5 =	vmul.f32 v5, v10;
	v10 =	vld [tilespmem:s16+$0x4F70]  }
0x41: {  	v12 =	vld [tilespmem:s13+$0x7700];
	[tilespmem:s16+$0x4F10] =	vst v11;
	v4 =	vmul.f32 v4, v9  }
0x42: {  	v11 =	vld [tilespmem:s13+$0x7710];
	[tilespmem:s16+$0x4F20] =	vst v5;
	v3 =	vmul.f32 v3, v8  }
0x43: {  	v5 =	vld [tilespmem:s13+$0x7720];
	[tilespmem:s16+$0x4F30] =	vst v4;
	v2 =	vmul.f32 v2, v7  }
0x44: {  	v4 =	vld [tilespmem:s13+$0x7730];
	[tilespmem:s16+$0x4F40] =	vst v3;
	v1 =	vmul.f32 v1, v6  }
0x45: {  	v3 =	vld [tilespmem:s13+$0x7740];
	[tilespmem:s16+$0x4F50] =	vst v2;
	v0 =	vmul.f32 v0, v10  }
0x46: {  	v2 =	vld [tilespmem:s13+$0x7750];
	[tilespmem:s16+$0x4F60] =	vst v1  }
0x47: {  	v1 =	vld [tilespmem:s13+$0x7760];
	[tilespmem:s16+$0x4F70] =	vst v0;
	s16 =	smov.u32 s13  }
0x48: {  	v0 =	vld [tilespmem:s16+$0x7770]  }
0x49: {  	v6 =	vld [tilespmem:s16+$0x4F00]  }
0x4a: {  	v13 =	vld [tilespmem:s16+$0x4F10]  }
.Ltmp0:
0x4b: {  	v10 =	vld [tilespmem:s16+$0x4F20];
	(pc) =	sbr.rel @p0 .LBB2_3-.Ltmp0, $4  }
0x4c: {  	v9 =	vld [tilespmem:s16+$0x4F30]  }
0x4d: {  	v8 =	vld [tilespmem:s16+$0x4F40]  }
0x4e: {  	v12 =	vmul.f32 v12, v6;
	v7 =	vld [tilespmem:s16+$0x4F50]  }
0x4f: {  	s12 =	sadd.s32 $0x200, s12;
	v11 =	vmul.f32 v11, v13;
	v6 =	vld [tilespmem:s16+$0x4F60]  }
0x50: {  	[tilespmem:s16+$0x4F00] =	vst v12;
	v5 =	vmul.f32 v5, v10;
	v10 =	vld [tilespmem:s16+$0x4F70]  }
0x51: {  	[tilespmem:s16+$0x4F10] =	vst v11;
	v4 =	vmul.f32 v4, v9  }
0x52: {  	[tilespmem:s16+$0x4F20] =	vst v5;
	v3 =	vmul.f32 v3, v8  }
0x53: {  	s15 =	smul.u32 $0x140, s14;
	[tilespmem:s16+$0x4F30] =	vst v4;
	v2 =	vmul.f32 v2, v7  }
0x54: {  	[tilespmem:s16+$0x4F40] =	vst v3;
	v1 =	vmul.f32 v1, v6  }
0x55: {  	s12 =	sadd.s32 s5, s15;
	[tilespmem:s16+$0x4F50] =	vst v2;
	v0 =	vmul.f32 v0, v10  }
0x56: {  	s12 =	sshll.u32 s12, $0x4;
	[tilespmem:s16+$0x4F60] =	vst v1  }
0x57: {  	p0 =	seq.s32 s14, $0x0;
	s12 =	sadd.s32 s3, s12;
	[tilespmem:s16+$0x4F70] =	vst v0  }
0x58: {  	[hbm4b:s12+s4] =	stream.linear.scatter [tilespmem:s19], [sflag:$0x9], $0x2800, $0x38;
	[tilespmem:$0x18F00] =	vst v63  }
0x59: {  	s12 =	simm.s32 @!p0 $0xC  }
0x5a: {  	_ =	swait.ge @!p0 [sflag:s12], $0x2800  }
0x5b: {  	[sflag:s12] =	ssyncset.done @!p0 $0x0  }
0x5c: {  	s16 =	sadd.s32 $0xF0, s15;
	[sflag:s12] =	ssyncadd.s32 @!p0 $0xFFFFD800  }
0x5d: {  	[tilespmem:s31], [sflag:$0x7] =	stream.indirect.gather [hbm4b:s1+s18], $0x80, s16, s18, $0xb8;
	[tilespmem:$0x18F00] =	vst v63  }
0x5e: {  	s23 =	sadd.s32 $0x2870, s15  }
0x5f: {  	[tilespmem:s2], [sflag:$0x8] =	stream.indirect.gather [hbm4b:s1+s18], $0x80, s23, s18, $0xb8;
	[tilespmem:$0x18F00] =	vst v63  }
0x60: {  	_ =	swait.ge [sflag:s0], $0x2800  }
0x61: {  	[sflag:s0] =	ssyncset.done $0x0  }
0x62: {  	[sflag:s0] =	ssyncadd.s32 $0xFFFFD800  }
0x63: {  	_ =	swait.ge [sflag:s22], $0x2800  }
0x64: {  	[sflag:s22] =	ssyncset.done $0x0  }
0x65: {  	s12 =	simm.s32 $0x0;
	[sflag:s22] =	ssyncadd.s32 $0xFFFFD800  }
0x66: {  	v7 =	vld [tilespmem:s12+$0xC700]  }
0x67: {  	v11 =	vld [tilespmem:s12+$0xC710]  }
0x68: {  	v5 =	vld [tilespmem:s12+$0xC720]  }
0x69: {  	v4 =	vld [tilespmem:s12+$0xC730]  }
0x6a: {  	v3 =	vld [tilespmem:s12+$0xC740]  }
0x6b: {  	v2 =	vld [tilespmem:s12+$0xC750]  }
0x6c: {  	v1 =	vld [tilespmem:s12+$0xC760]  }
0x6d: {  	v0 =	vld [tilespmem:s12+$0xC770]  }
0x6e: {  	v12 =	vld [tilespmem:s12+$0x9F00]  }
0x6f: {  	v13 =	vld [tilespmem:s12+$0x9F10]  }
0x70: {  	v10 =	vld [tilespmem:s12+$0x9F20]  }
0x71: {  	v9 =	vld [tilespmem:s12+$0x9F30]  }
0x72: {  	v8 =	vld [tilespmem:s12+$0x9F40]  }
0x73: {  	v6 =	vld [tilespmem:s12+$0x9F50];
	v12 =	vmul.f32 v7, v12  }
0x74: {  	s13 =	simm.s32 $0x200;
	v11 =	vmul.f32 v11, v13;
	v7 =	vld [tilespmem:s12+$0x9F60]  }
.LBB2_5:
0x75: {  	s23 =	sshra.s32 s13, $0x2;
	p0 =	sne.s32 s13, $0x9E00;
	[tilespmem:s12+$0x9F00] =	vst v12;
	v5 =	vmul.f32 v5, v10;
	v10 =	vld [tilespmem:s12+$0x9F70]  }
0x76: {  	v12 =	vld [tilespmem:s23+$0xC700];
	[tilespmem:s12+$0x9F10] =	vst v11;
	v4 =	vmul.f32 v4, v9  }
0x77: {  	v11 =	vld [tilespmem:s23+$0xC710];
	[tilespmem:s12+$0x9F20] =	vst v5;
	v3 =	vmul.f32 v3, v8  }
0x78: {  	v5 =	vld [tilespmem:s23+$0xC720];
	[tilespmem:s12+$0x9F30] =	vst v4;
	v2 =	vmul.f32 v2, v6  }
0x79: {  	v4 =	vld [tilespmem:s23+$0xC730];
	[tilespmem:s12+$0x9F40] =	vst v3;
	v1 =	vmul.f32 v1, v7  }
0x7a: {  	v3 =	vld [tilespmem:s23+$0xC740];
	[tilespmem:s12+$0x9F50] =	vst v2;
	v0 =	vmul.f32 v0, v10  }
0x7b: {  	v2 =	vld [tilespmem:s23+$0xC750];
	[tilespmem:s12+$0x9F60] =	vst v1  }
0x7c: {  	v1 =	vld [tilespmem:s23+$0xC760];
	[tilespmem:s12+$0x9F70] =	vst v0;
	s12 =	smov.u32 s23  }
0x7d: {  	v0 =	vld [tilespmem:s12+$0xC770]  }
0x7e: {  	v6 =	vld [tilespmem:s12+$0x9F00]  }
0x7f: {  	v7 =	vld [tilespmem:s12+$0x9F10]  }
.Ltmp1:
0x80: {  	v10 =	vld [tilespmem:s12+$0x9F20];
	(pc) =	sbr.rel @p0 .LBB2_5-.Ltmp1, $4  }
0x81: {  	v9 =	vld [tilespmem:s12+$0x9F30]  }
0x82: {  	v8 =	vld [tilespmem:s12+$0x9F40]  }
0x83: {  	v12 =	vmul.f32 v12, v6;
	v6 =	vld [tilespmem:s12+$0x9F50]  }
0x84: {  	s13 =	sadd.s32 $0x200, s13;
	v11 =	vmul.f32 v11, v7;
	v7 =	vld [tilespmem:s12+$0x9F60]  }
0x85: {  	[tilespmem:s12+$0x9F00] =	vst v12;
	v5 =	vmul.f32 v5, v10;
	v10 =	vld [tilespmem:s12+$0x9F70]  }
0x86: {  	[tilespmem:s12+$0x9F10] =	vst v11;
	v4 =	vmul.f32 v4, v9  }
0x87: {  	[tilespmem:s12+$0x9F20] =	vst v5;
	v3 =	vmul.f32 v3, v8  }
0x88: {  	[tilespmem:s12+$0x9F30] =	vst v4;
	v2 =	vmul.f32 v2, v6  }
0x89: {  	[tilespmem:s12+$0x9F40] =	vst v3;
	v1 =	vmul.f32 v1, v7  }
0x8a: {  	s13 =	sadd.s32 s15, s8;
	[tilespmem:s12+$0x9F50] =	vst v2;
	v0 =	vmul.f32 v0, v10  }
0x8b: {  	s13 =	sshll.u32 s13, $0x4;
	[tilespmem:s12+$0x9F60] =	vst v1  }
0x8c: {  	s23 =	simm.s32 $0x0;
	s13 =	sadd.s32 s3, s13;
	[tilespmem:s12+$0x9F70] =	vst v0  }
0x8d: {  	[hbm4b:s13+s23] =	stream.linear.scatter [tilespmem:s21], [sflag:$0xA], $0x2800, $0x38;
	[tilespmem:$0x18F00] =	vst v63  }
0x8e: {  	_ =	swait.ge [sflag:s24], $0x2800  }
0x8f: {  	[sflag:s24] =	ssyncset.done $0x0  }
0x90: {  	s13 =	sadd.s32 $0x140, s15;
	[sflag:s24] =	ssyncadd.s32 $0xFFFFD800  }
0x91: {  	[tilespmem:s19], [sflag:$0x1] =	stream.indirect.gather [hbm4b:s1+s18], $0x80, s13, s18, $0xb8;
	[tilespmem:$0x18F00] =	vst v63  }
0x92: {  	s23 =	sadd.s32 $0x28C0, s15  }
0x93: {  	[tilespmem:s20], [sflag:$0x2] =	stream.indirect.gather [hbm4b:s1+s18], $0x80, s23, s18, $0xb8;
	[tilespmem:$0x18F00] =	vst v63  }
0x94: {  	_ =	swait.ge [sflag:s26], $0x2800  }
0x95: {  	[sflag:s26] =	ssyncset.done $0x0  }
0x96: {  	[sflag:s26] =	ssyncadd.s32 $0xFFFFD800  }
0x97: {  	_ =	swait.ge [sflag:s17], $0x2800  }
0x98: {  	[sflag:s17] =	ssyncset.done $0x0  }
0x99: {  	s12 =	simm.s32 $0x0;
	[sflag:s17] =	ssyncadd.s32 $0xFFFFD800  }
0x9a: {  	v7 =	vld [tilespmem:s12+$0x11700]  }
0x9b: {  	v11 =	vld [tilespmem:s12+$0x11710]  }
0x9c: {  	v5 =	vld [tilespmem:s12+$0x11720]  }
0x9d: {  	v4 =	vld [tilespmem:s12+$0x11730]  }
0x9e: {  	v3 =	vld [tilespmem:s12+$0x11740]  }
0x9f: {  	v2 =	vld [tilespmem:s12+$0x11750]  }
0xa0: {  	v1 =	vld [tilespmem:s12+$0x11760]  }
0xa1: {  	v0 =	vld [tilespmem:s12+$0x11770]  }
0xa2: {  	v12 =	vld [tilespmem:s12+$0xEF00]  }
0xa3: {  	v13 =	vld [tilespmem:s12+$0xEF10]  }
0xa4: {  	v10 =	vld [tilespmem:s12+$0xEF20]  }
0xa5: {  	v9 =	vld [tilespmem:s12+$0xEF30]  }
0xa6: {  	v8 =	vld [tilespmem:s12+$0xEF40]  }
0xa7: {  	v6 =	vld [tilespmem:s12+$0xEF50];
	v12 =	vmul.f32 v7, v12  }
0xa8: {  	s13 =	simm.s32 $0x200;
	v11 =	vmul.f32 v11, v13;
	v7 =	vld [tilespmem:s12+$0xEF60]  }
.LBB2_7:
0xa9: {  	s23 =	sshra.s32 s13, $0x2;
	p0 =	sne.s32 s13, $0x9E00;
	[tilespmem:s12+$0xEF00] =	vst v12;
	v5 =	vmul.f32 v5, v10;
	v10 =	vld [tilespmem:s12+$0xEF70]  }
0xaa: {  	v12 =	vld [tilespmem:s23+$0x11700];
	[tilespmem:s12+$0xEF10] =	vst v11;
	v4 =	vmul.f32 v4, v9  }
0xab: {  	v11 =	vld [tilespmem:s23+$0x11710];
	[tilespmem:s12+$0xEF20] =	vst v5;
	v3 =	vmul.f32 v3, v8  }
0xac: {  	v5 =	vld [tilespmem:s23+$0x11720];
	[tilespmem:s12+$0xEF30] =	vst v4;
	v2 =	vmul.f32 v2, v6  }
0xad: {  	v4 =	vld [tilespmem:s23+$0x11730];
	[tilespmem:s12+$0xEF40] =	vst v3;
	v1 =	vmul.f32 v1, v7  }
0xae: {  	v3 =	vld [tilespmem:s23+$0x11740];
	[tilespmem:s12+$0xEF50] =	vst v2;
	v0 =	vmul.f32 v0, v10  }
0xaf: {  	v2 =	vld [tilespmem:s23+$0x11750];
	[tilespmem:s12+$0xEF60] =	vst v1  }
0xb0: {  	v1 =	vld [tilespmem:s23+$0x11760];
	[tilespmem:s12+$0xEF70] =	vst v0;
	s12 =	smov.u32 s23  }
0xb1: {  	v0 =	vld [tilespmem:s12+$0x11770]  }
0xb2: {  	v6 =	vld [tilespmem:s12+$0xEF00]  }
0xb3: {  	v7 =	vld [tilespmem:s12+$0xEF10]  }
.Ltmp2:
0xb4: {  	v10 =	vld [tilespmem:s12+$0xEF20];
	(pc) =	sbr.rel @p0 .LBB2_7-.Ltmp2, $4  }
0xb5: {  	v9 =	vld [tilespmem:s12+$0xEF30]  }
0xb6: {  	v8 =	vld [tilespmem:s12+$0xEF40]  }
0xb7: {  	v12 =	vmul.f32 v12, v6;
	v6 =	vld [tilespmem:s12+$0xEF50]  }
0xb8: {  	s13 =	sadd.s32 $0x200, s13;
	v11 =	vmul.f32 v11, v7;
	v7 =	vld [tilespmem:s12+$0xEF60]  }
0xb9: {  	[tilespmem:s12+$0xEF00] =	vst v12;
	v5 =	vmul.f32 v5, v10;
	v10 =	vld [tilespmem:s12+$0xEF70]  }
0xba: {  	[tilespmem:s12+$0xEF10] =	vst v11;
	v4 =	vmul.f32 v4, v9  }
0xbb: {  	[tilespmem:s12+$0xEF20] =	vst v5;
	v3 =	vmul.f32 v3, v8  }
0xbc: {  	[tilespmem:s12+$0xEF30] =	vst v4;
	v2 =	vmul.f32 v2, v6  }
0xbd: {  	[tilespmem:s12+$0xEF40] =	vst v3;
	v1 =	vmul.f32 v1, v7  }
0xbe: {  	s13 =	sadd.s32 s15, s9;
	[tilespmem:s12+$0xEF50] =	vst v2;
	v0 =	vmul.f32 v0, v10  }
0xbf: {  	s13 =	sshll.u32 s13, $0x4;
	[tilespmem:s12+$0xEF60] =	vst v1  }
0xc0: {  	s23 =	simm.s32 $0x0;
	s13 =	sadd.s32 s3, s13;
	[tilespmem:s12+$0xEF70] =	vst v0  }
0xc1: {  	[hbm4b:s13+s23] =	stream.linear.scatter [tilespmem:s25], [sflag:$0xB], $0x2800, $0x38;
	[tilespmem:$0x18F00] =	vst v63  }
0xc2: {  	_ =	swait.ge [sflag:s6], $0x2800  }
0xc3: {  	[sflag:s6] =	ssyncset.done $0x0  }
0xc4: {  	s23 =	sadd.s32 $0x190, s15;
	[sflag:s6] =	ssyncadd.s32 $0xFFFFD800  }
0xc5: {  	[tilespmem:s21], [sflag:$0x3] =	stream.indirect.gather [hbm4b:s1+s18], $0x80, s23, s18, $0xb8;
	[tilespmem:$0x18F00] =	vst v63  }
0xc6: {  	s13 =	sadd.s32 $0x2910, s15;
	s23 =	simm.s32 $0xC700  }
0xc7: {  	[tilespmem:s23], [sflag:$0x4] =	stream.indirect.gather [hbm4b:s1+s18], $0x80, s13, s18, $0xb8;
	[tilespmem:$0x18F00] =	vst v63  }
0xc8: {  	_ =	swait.ge [sflag:s7], $0x2800  }
0xc9: {  	[sflag:s7] =	ssyncset.done $0x0  }
0xca: {  	[sflag:s7] =	ssyncadd.s32 $0xFFFFD800  }
0xcb: {  	_ =	swait.ge [sflag:s10], $0x2800  }
0xcc: {  	[sflag:s10] =	ssyncset.done $0x0  }
0xcd: {  	s12 =	simm.s32 $0x0;
	[sflag:s10] =	ssyncadd.s32 $0xFFFFD800  }
0xce: {  	v7 =	vld [tilespmem:s12+$0x16700]  }
0xcf: {  	v11 =	vld [tilespmem:s12+$0x16710]  }
0xd0: {  	v5 =	vld [tilespmem:s12+$0x16720]  }
0xd1: {  	v4 =	vld [tilespmem:s12+$0x16730]  }
0xd2: {  	v3 =	vld [tilespmem:s12+$0x16740]  }
0xd3: {  	v2 =	vld [tilespmem:s12+$0x16750]  }
0xd4: {  	v1 =	vld [tilespmem:s12+$0x16760]  }
0xd5: {  	v0 =	vld [tilespmem:s12+$0x16770]  }
0xd6: {  	v12 =	vld [tilespmem:s12+$0x13F00]  }
0xd7: {  	v13 =	vld [tilespmem:s12+$0x13F10]  }
0xd8: {  	v10 =	vld [tilespmem:s12+$0x13F20]  }
0xd9: {  	v9 =	vld [tilespmem:s12+$0x13F30]  }
0xda: {  	v8 =	vld [tilespmem:s12+$0x13F40]  }
0xdb: {  	v6 =	vld [tilespmem:s12+$0x13F50];
	v12 =	vmul.f32 v7, v12  }
0xdc: {  	s13 =	simm.s32 $0x200;
	v11 =	vmul.f32 v11, v13;
	v7 =	vld [tilespmem:s12+$0x13F60]  }
.LBB2_9:
0xdd: {  	s23 =	sshra.s32 s13, $0x2;
	p0 =	sne.s32 s13, $0x9E00;
	[tilespmem:s12+$0x13F00] =	vst v12;
	v5 =	vmul.f32 v5, v10;
	v10 =	vld [tilespmem:s12+$0x13F70]  }
0xde: {  	v12 =	vld [tilespmem:s23+$0x16700];
	[tilespmem:s12+$0x13F10] =	vst v11;
	v4 =	vmul.f32 v4, v9  }
0xdf: {  	v11 =	vld [tilespmem:s23+$0x16710];
	[tilespmem:s12+$0x13F20] =	vst v5;
	v3 =	vmul.f32 v3, v8  }
0xe0: {  	v5 =	vld [tilespmem:s23+$0x16720];
	[tilespmem:s12+$0x13F30] =	vst v4;
	v2 =	vmul.f32 v2, v6  }
0xe1: {  	v4 =	vld [tilespmem:s23+$0x16730];
	[tilespmem:s12+$0x13F40] =	vst v3;
	v1 =	vmul.f32 v1, v7  }
0xe2: {  	v3 =	vld [tilespmem:s23+$0x16740];
	[tilespmem:s12+$0x13F50] =	vst v2;
	v0 =	vmul.f32 v0, v10  }
0xe3: {  	v2 =	vld [tilespmem:s23+$0x16750];
	[tilespmem:s12+$0x13F60] =	vst v1  }
0xe4: {  	v1 =	vld [tilespmem:s23+$0x16760];
	[tilespmem:s12+$0x13F70] =	vst v0;
	s12 =	smov.u32 s23  }
0xe5: {  	v0 =	vld [tilespmem:s12+$0x16770]  }
0xe6: {  	v6 =	vld [tilespmem:s12+$0x13F00]  }
0xe7: {  	v7 =	vld [tilespmem:s12+$0x13F10]  }
.Ltmp3:
0xe8: {  	v10 =	vld [tilespmem:s12+$0x13F20];
	(pc) =	sbr.rel @p0 .LBB2_9-.Ltmp3, $4  }
0xe9: {  	v9 =	vld [tilespmem:s12+$0x13F30]  }
0xea: {  	v8 =	vld [tilespmem:s12+$0x13F40]  }
0xeb: {  	v12 =	vmul.f32 v12, v6;
	v6 =	vld [tilespmem:s12+$0x13F50]  }
0xec: {  	s13 =	sadd.s32 $0x200, s13;
	v11 =	vmul.f32 v11, v7;
	v7 =	vld [tilespmem:s12+$0x13F60]  }
0xed: {  	[tilespmem:s12+$0x13F00] =	vst v12;
	v5 =	vmul.f32 v5, v10;
	v63 =	vld [tilespmem:s12+$0x13F70]  }
0xee: {  	[tilespmem:s12+$0x13F10] =	vst v11;
	v4 =	vmul.f32 v4, v9  }
0xef: {  	[tilespmem:s12+$0x13F20] =	vst v5;
	v3 =	vmul.f32 v3, v8  }
0xf0: {  	[tilespmem:s12+$0x13F30] =	vst v4;
	v2 =	vmul.f32 v2, v6  }
0xf1: {  	[tilespmem:s12+$0x13F40] =	vst v3;
	v1 =	vmul.f32 v1, v7  }
0xf2: {  	s13 =	sadd.s32 s5, s16;
	[tilespmem:s12+$0x13F50] =	vst v2;
	v0 =	vmul.f32 v0, v63  }
0xf3: {  	s13 =	sshll.u32 s13, $0x4;
	[tilespmem:s12+$0x13F60] =	vst v1  }
0xf4: {  	s14 =	sadd.s32 $0x1, s14;
	s13 =	sadd.s32 s3, s13;
	[tilespmem:s12+$0x13F70] =	vst v0  }
0xf5: {  	[hbm4b:s13+s4] =	stream.linear.scatter [tilespmem:s31], [sflag:$0xC], $0x2800, $0x38;
	[tilespmem:$0x18F00] =	vst v63  }
0xf6: {  	p0 =	sne.s32 s14, $0x1E;
	_ =	swait.ge [sflag:s11], $0x2800  }
.Ltmp4:
0xf7: {  	[sflag:s11] =	ssyncset.done $0x0;
	(pc) =	sbr.rel @p0 .LBB2_2-.Ltmp4, $4  }
0xf8: {  	s16 =	sadd.s32 $0x1E0, s15;
	[sflag:s11] =	ssyncadd.s32 $0xFFFFD800  }
0xf9: {  	[tilespmem:s25], [sflag:$0x5] =	stream.indirect.gather [hbm4b:s1+s18], $0x80, s16, s18, $0xb8;
	[tilespmem:$0x18F00] =	vst v63  }
0xfa: {  	s23 =	sadd.s32 $0x2960, s15  }
0xfb: {  	[tilespmem:s28], [sflag:$0x6] =	stream.indirect.gather [hbm4b:s1+s18], $0x80, s23, s18, $0xb8;
	[tilespmem:$0x18F00] =	vst v63  }
0xfc: {  	_ =	swait.ge [sflag:s29], $0x2800  }
0xfd: {  	[sflag:s29] =	ssyncset.done $0x0  }
0xfe: {  	[sflag:s29] =	ssyncadd.s32 $0xFFFFD800  }
0xff: {  	_ =	swait.ge [sflag:s30], $0x2800  }
0x100: {  	[sflag:s30] =	ssyncset.done $0x0  }
0x101: {  	s12 =	simm.s32 $0x0;
	[sflag:s30] =	ssyncadd.s32 $0xFFFFD800  }
0x102: {  	v7 =	vld [tilespmem:s12+$0x7700]  }
0x103: {  	v11 =	vld [tilespmem:s12+$0x7710]  }
0x104: {  	v5 =	vld [tilespmem:s12+$0x7720]  }
0x105: {  	v4 =	vld [tilespmem:s12+$0x7730]  }
0x106: {  	v3 =	vld [tilespmem:s12+$0x7740]  }
0x107: {  	v2 =	vld [tilespmem:s12+$0x7750]  }
0x108: {  	v1 =	vld [tilespmem:s12+$0x7760]  }
0x109: {  	v0 =	vld [tilespmem:s12+$0x7770]  }
0x10a: {  	v12 =	vld [tilespmem:s12+$0x4F00]  }
0x10b: {  	v13 =	vld [tilespmem:s12+$0x4F10]  }
0x10c: {  	v10 =	vld [tilespmem:s12+$0x4F20]  }
0x10d: {  	v9 =	vld [tilespmem:s12+$0x4F30]  }
0x10e: {  	v8 =	vld [tilespmem:s12+$0x4F40]  }
0x10f: {  	v6 =	vld [tilespmem:s12+$0x4F50];
	v12 =	vmul.f32 v7, v12  }
0x110: {  	s13 =	simm.s32 $0x200;
	v11 =	vmul.f32 v11, v13;
	v7 =	vld [tilespmem:s12+$0x4F60]  }
.LBB2_12:
0x111: {  	s14 =	sshra.s32 s13, $0x2;
	p0 =	sne.s32 s13, $0x9E00;
	[tilespmem:s12+$0x4F00] =	vst v12;
	v5 =	vmul.f32 v5, v10;
	v10 =	vld [tilespmem:s12+$0x4F70]  }
0x112: {  	v12 =	vld [tilespmem:s14+$0x7700];
	[tilespmem:s12+$0x4F10] =	vst v11;
	v4 =	vmul.f32 v4, v9  }
0x113: {  	v11 =	vld [tilespmem:s14+$0x7710];
	[tilespmem:s12+$0x4F20] =	vst v5;
	v3 =	vmul.f32 v3, v8  }
0x114: {  	v5 =	vld [tilespmem:s14+$0x7720];
	[tilespmem:s12+$0x4F30] =	vst v4;
	v2 =	vmul.f32 v2, v6  }
0x115: {  	v4 =	vld [tilespmem:s14+$0x7730];
	[tilespmem:s12+$0x4F40] =	vst v3;
	v1 =	vmul.f32 v1, v7  }
0x116: {  	v3 =	vld [tilespmem:s14+$0x7740];
	[tilespmem:s12+$0x4F50] =	vst v2;
	v0 =	vmul.f32 v0, v10  }
0x117: {  	v2 =	vld [tilespmem:s14+$0x7750];
	[tilespmem:s12+$0x4F60] =	vst v1  }
0x118: {  	v1 =	vld [tilespmem:s14+$0x7760];
	[tilespmem:s12+$0x4F70] =	vst v0;
	s12 =	smov.u32 s14  }
0x119: {  	v0 =	vld [tilespmem:s12+$0x7770]  }
0x11a: {  	v6 =	vld [tilespmem:s12+$0x4F00]  }
0x11b: {  	v7 =	vld [tilespmem:s12+$0x4F10]  }
.Ltmp5:
0x11c: {  	v10 =	vld [tilespmem:s12+$0x4F20];
	(pc) =	sbr.rel @p0 .LBB2_12-.Ltmp5, $4  }
0x11d: {  	v9 =	vld [tilespmem:s12+$0x4F30]  }
0x11e: {  	v8 =	vld [tilespmem:s12+$0x4F40]  }
0x11f: {  	v12 =	vmul.f32 v12, v6;
	v6 =	vld [tilespmem:s12+$0x4F50]  }
0x120: {  	s13 =	sadd.s32 $0x200, s13;
	v11 =	vmul.f32 v11, v7;
	v7 =	vld [tilespmem:s12+$0x4F60]  }
0x121: {  	[tilespmem:s12+$0x4F00] =	vst v12;
	v5 =	vmul.f32 v5, v10;
	v10 =	vld [tilespmem:s12+$0x4F70]  }
0x122: {  	[tilespmem:s12+$0x4F10] =	vst v11;
	v4 =	vmul.f32 v4, v9  }
0x123: {  	[tilespmem:s12+$0x4F20] =	vst v5;
	v3 =	vmul.f32 v3, v8  }
0x124: {  	[tilespmem:s12+$0x4F30] =	vst v4;
	v2 =	vmul.f32 v2, v6  }
0x125: {  	[tilespmem:s12+$0x4F40] =	vst v3;
	v1 =	vmul.f32 v1, v7  }
0x126: {  	[tilespmem:s12+$0x4F50] =	vst v2;
	v0 =	vmul.f32 v0, v10  }
0x127: {  	[tilespmem:s12+$0x4F60] =	vst v1  }
0x128: {  	s15 =	simm.s32 $0x0;
	s13 =	rddreg [dreg:$0x7];
	[tilespmem:s12+$0x4F70] =	vst v0  }
0x129: {  	[hbm4b:s13+s15] =	stream.linear.scatter [tilespmem:s19], [sflag:$0x9], $0x2800, $0x38;
	[tilespmem:$0x18F00] =	vst v63  }
0x12a: {  	s15 =	simm.s32 $0xC  }
0x12b: {  	_ =	swait.ge [sflag:s15], $0x2800  }
0x12c: {  	[sflag:s15] =	ssyncset.done $0x0  }
0x12d: {  	s16 =	simm.s32 $0x2670;
	[sflag:s15] =	ssyncadd.s32 $0xFFFFD800  }
0x12e: {  	[tilespmem:s31], [sflag:$0x7] =	stream.indirect.gather [hbm4b:s1+s18], $0x80, s16, s18, $0xb8;
	[tilespmem:$0x18F00] =	vst v63  }
0x12f: {  	s23 =	simm.s32 $0x4DF0  }
0x130: {  	[tilespmem:s2], [sflag:$0x8] =	stream.indirect.gather [hbm4b:s1+s18], $0x80, s23, s18, $0xb8;
	[tilespmem:$0x18F00] =	vst v63  }
0x131: {  	_ =	swait.ge [sflag:s0], $0x2800  }
0x132: {  	[sflag:s0] =	ssyncset.done $0x0  }
0x133: {  	[sflag:s0] =	ssyncadd.s32 $0xFFFFD800  }
0x134: {  	_ =	swait.ge [sflag:s22], $0x2800  }
0x135: {  	[sflag:s22] =	ssyncset.done $0x0  }
0x136: {  	s12 =	simm.s32 $0x0;
	[sflag:s22] =	ssyncadd.s32 $0xFFFFD800  }
0x137: {  	v7 =	vld [tilespmem:s12+$0xC700]  }
0x138: {  	v11 =	vld [tilespmem:s12+$0xC710]  }
0x139: {  	v5 =	vld [tilespmem:s12+$0xC720]  }
0x13a: {  	v4 =	vld [tilespmem:s12+$0xC730]  }
0x13b: {  	v3 =	vld [tilespmem:s12+$0xC740]  }
0x13c: {  	v2 =	vld [tilespmem:s12+$0xC750]  }
0x13d: {  	v1 =	vld [tilespmem:s12+$0xC760]  }
0x13e: {  	v0 =	vld [tilespmem:s12+$0xC770]  }
0x13f: {  	v12 =	vld [tilespmem:s12+$0x9F00]  }
0x140: {  	v13 =	vld [tilespmem:s12+$0x9F10]  }
0x141: {  	v10 =	vld [tilespmem:s12+$0x9F20]  }
0x142: {  	v9 =	vld [tilespmem:s12+$0x9F30]  }
0x143: {  	v8 =	vld [tilespmem:s12+$0x9F40]  }
0x144: {  	v6 =	vld [tilespmem:s12+$0x9F50];
	v12 =	vmul.f32 v7, v12  }
0x145: {  	s13 =	simm.s32 $0x200;
	v11 =	vmul.f32 v11, v13;
	v7 =	vld [tilespmem:s12+$0x9F60]  }
.LBB2_14:
0x146: {  	s14 =	sshra.s32 s13, $0x2;
	p0 =	sne.s32 s13, $0x9E00;
	[tilespmem:s12+$0x9F00] =	vst v12;
	v5 =	vmul.f32 v5, v10;
	v10 =	vld [tilespmem:s12+$0x9F70]  }
0x147: {  	v12 =	vld [tilespmem:s14+$0xC700];
	[tilespmem:s12+$0x9F10] =	vst v11;
	v4 =	vmul.f32 v4, v9  }
0x148: {  	v11 =	vld [tilespmem:s14+$0xC710];
	[tilespmem:s12+$0x9F20] =	vst v5;
	v3 =	vmul.f32 v3, v8  }
0x149: {  	v5 =	vld [tilespmem:s14+$0xC720];
	[tilespmem:s12+$0x9F30] =	vst v4;
	v2 =	vmul.f32 v2, v6  }
0x14a: {  	v4 =	vld [tilespmem:s14+$0xC730];
	[tilespmem:s12+$0x9F40] =	vst v3;
	v1 =	vmul.f32 v1, v7  }
0x14b: {  	v3 =	vld [tilespmem:s14+$0xC740];
	[tilespmem:s12+$0x9F50] =	vst v2;
	v0 =	vmul.f32 v0, v10  }
0x14c: {  	v2 =	vld [tilespmem:s14+$0xC750];
	[tilespmem:s12+$0x9F60] =	vst v1  }
0x14d: {  	v1 =	vld [tilespmem:s14+$0xC760];
	[tilespmem:s12+$0x9F70] =	vst v0;
	s12 =	smov.u32 s14  }
0x14e: {  	v0 =	vld [tilespmem:s12+$0xC770]  }
0x14f: {  	v6 =	vld [tilespmem:s12+$0x9F00]  }
0x150: {  	v7 =	vld [tilespmem:s12+$0x9F10]  }
.Ltmp6:
0x151: {  	v10 =	vld [tilespmem:s12+$0x9F20];
	(pc) =	sbr.rel @p0 .LBB2_14-.Ltmp6, $4  }
0x152: {  	v9 =	vld [tilespmem:s12+$0x9F30]  }
0x153: {  	v8 =	vld [tilespmem:s12+$0x9F40]  }
0x154: {  	v12 =	vmul.f32 v12, v6;
	v6 =	vld [tilespmem:s12+$0x9F50]  }
0x155: {  	s13 =	sadd.s32 $0x200, s13;
	v11 =	vmul.f32 v11, v7;
	v7 =	vld [tilespmem:s12+$0x9F60]  }
0x156: {  	[tilespmem:s12+$0x9F00] =	vst v12;
	v5 =	vmul.f32 v5, v10;
	v10 =	vld [tilespmem:s12+$0x9F70]  }
0x157: {  	[tilespmem:s12+$0x9F10] =	vst v11;
	v4 =	vmul.f32 v4, v9  }
0x158: {  	[tilespmem:s12+$0x9F20] =	vst v5;
	v3 =	vmul.f32 v3, v8  }
0x159: {  	[tilespmem:s12+$0x9F30] =	vst v4;
	v2 =	vmul.f32 v2, v6  }
0x15a: {  	[tilespmem:s12+$0x9F40] =	vst v3;
	v1 =	vmul.f32 v1, v7  }
0x15b: {  	[tilespmem:s12+$0x9F50] =	vst v2;
	v0 =	vmul.f32 v0, v10  }
0x15c: {  	[tilespmem:s12+$0x9F60] =	vst v1  }
0x15d: {  	s14 =	simm.s32 $0x0;
	s13 =	rddreg [dreg:$0x8];
	[tilespmem:s12+$0x9F70] =	vst v0  }
0x15e: {  	[hbm4b:s13+s14] =	stream.linear.scatter [tilespmem:s21], [sflag:$0xA], $0x2800, $0x38;
	[tilespmem:$0x18F00] =	vst v63  }
0x15f: {  	_ =	swait.ge [sflag:s24], $0x2800  }
0x160: {  	[sflag:s24] =	ssyncset.done $0x0  }
0x161: {  	s16 =	simm.s32 $0x26C0;
	[sflag:s24] =	ssyncadd.s32 $0xFFFFD800  }
0x162: {  	[tilespmem:s19], [sflag:$0x1] =	stream.indirect.gather [hbm4b:s1+s18], $0x80, s16, s18, $0xb8;
	[tilespmem:$0x18F00] =	vst v63  }
0x163: {  	s23 =	simm.s32 $0x4E40  }
0x164: {  	[tilespmem:s20], [sflag:$0x2] =	stream.indirect.gather [hbm4b:s1+s18], $0x80, s23, s18, $0xb8;
	[tilespmem:$0x18F00] =	vst v63  }
0x165: {  	_ =	swait.ge [sflag:s26], $0x2800  }
0x166: {  	[sflag:s26] =	ssyncset.done $0x0  }
0x167: {  	[sflag:s26] =	ssyncadd.s32 $0xFFFFD800  }
0x168: {  	_ =	swait.ge [sflag:s17], $0x2800  }
0x169: {  	[sflag:s17] =	ssyncset.done $0x0  }
0x16a: {  	s12 =	simm.s32 $0x0;
	[sflag:s17] =	ssyncadd.s32 $0xFFFFD800  }
0x16b: {  	v7 =	vld [tilespmem:s12+$0x11700]  }
0x16c: {  	v11 =	vld [tilespmem:s12+$0x11710]  }
0x16d: {  	v5 =	vld [tilespmem:s12+$0x11720]  }
0x16e: {  	v4 =	vld [tilespmem:s12+$0x11730]  }
0x16f: {  	v3 =	vld [tilespmem:s12+$0x11740]  }
0x170: {  	v2 =	vld [tilespmem:s12+$0x11750]  }
0x171: {  	v1 =	vld [tilespmem:s12+$0x11760]  }
0x172: {  	v0 =	vld [tilespmem:s12+$0x11770]  }
0x173: {  	v12 =	vld [tilespmem:s12+$0xEF00]  }
0x174: {  	v13 =	vld [tilespmem:s12+$0xEF10]  }
0x175: {  	v10 =	vld [tilespmem:s12+$0xEF20]  }
0x176: {  	v9 =	vld [tilespmem:s12+$0xEF30]  }
0x177: {  	v8 =	vld [tilespmem:s12+$0xEF40]  }
0x178: {  	v6 =	vld [tilespmem:s12+$0xEF50];
	v12 =	vmul.f32 v7, v12  }
0x179: {  	s13 =	simm.s32 $0x200;
	v11 =	vmul.f32 v11, v13;
	v7 =	vld [tilespmem:s12+$0xEF60]  }
.LBB2_16:
0x17a: {  	s14 =	sshra.s32 s13, $0x2;
	p0 =	sne.s32 s13, $0x9E00;
	[tilespmem:s12+$0xEF00] =	vst v12;
	v5 =	vmul.f32 v5, v10;
	v10 =	vld [tilespmem:s12+$0xEF70]  }
0x17b: {  	v12 =	vld [tilespmem:s14+$0x11700];
	[tilespmem:s12+$0xEF10] =	vst v11;
	v4 =	vmul.f32 v4, v9  }
0x17c: {  	v11 =	vld [tilespmem:s14+$0x11710];
	[tilespmem:s12+$0xEF20] =	vst v5;
	v3 =	vmul.f32 v3, v8  }
0x17d: {  	v5 =	vld [tilespmem:s14+$0x11720];
	[tilespmem:s12+$0xEF30] =	vst v4;
	v2 =	vmul.f32 v2, v6  }
0x17e: {  	v4 =	vld [tilespmem:s14+$0x11730];
	[tilespmem:s12+$0xEF40] =	vst v3;
	v1 =	vmul.f32 v1, v7  }
0x17f: {  	v3 =	vld [tilespmem:s14+$0x11740];
	[tilespmem:s12+$0xEF50] =	vst v2;
	v0 =	vmul.f32 v0, v10  }
0x180: {  	v2 =	vld [tilespmem:s14+$0x11750];
	[tilespmem:s12+$0xEF60] =	vst v1  }
0x181: {  	v1 =	vld [tilespmem:s14+$0x11760];
	[tilespmem:s12+$0xEF70] =	vst v0;
	s12 =	smov.u32 s14  }
0x182: {  	v0 =	vld [tilespmem:s12+$0x11770]  }
0x183: {  	v6 =	vld [tilespmem:s12+$0xEF00]  }
0x184: {  	v7 =	vld [tilespmem:s12+$0xEF10]  }
.Ltmp7:
0x185: {  	v10 =	vld [tilespmem:s12+$0xEF20];
	(pc) =	sbr.rel @p0 .LBB2_16-.Ltmp7, $4  }
0x186: {  	v9 =	vld [tilespmem:s12+$0xEF30]  }
0x187: {  	v8 =	vld [tilespmem:s12+$0xEF40]  }
0x188: {  	v12 =	vmul.f32 v12, v6;
	v6 =	vld [tilespmem:s12+$0xEF50]  }
0x189: {  	s13 =	sadd.s32 $0x200, s13;
	v11 =	vmul.f32 v11, v7;
	v7 =	vld [tilespmem:s12+$0xEF60]  }
0x18a: {  	[tilespmem:s12+$0xEF00] =	vst v12;
	v5 =	vmul.f32 v5, v10;
	v10 =	vld [tilespmem:s12+$0xEF70]  }
0x18b: {  	[tilespmem:s12+$0xEF10] =	vst v11;
	v4 =	vmul.f32 v4, v9  }
0x18c: {  	[tilespmem:s12+$0xEF20] =	vst v5;
	v3 =	vmul.f32 v3, v8  }
0x18d: {  	[tilespmem:s12+$0xEF30] =	vst v4;
	v2 =	vmul.f32 v2, v6  }
0x18e: {  	[tilespmem:s12+$0xEF40] =	vst v3;
	v1 =	vmul.f32 v1, v7  }
0x18f: {  	[tilespmem:s12+$0xEF50] =	vst v2;
	v0 =	vmul.f32 v0, v10  }
0x190: {  	[tilespmem:s12+$0xEF60] =	vst v1  }
0x191: {  	s23 =	simm.s32 $0x0;
	s13 =	rddreg [dreg:$0x9];
	[tilespmem:s12+$0xEF70] =	vst v0  }
0x192: {  	[hbm4b:s13+s23] =	stream.linear.scatter [tilespmem:s25], [sflag:$0xB], $0x2800, $0x38;
	[tilespmem:$0x18F00] =	vst v63  }
0x193: {  	_ =	swait.ge [sflag:s6], $0x2800  }
0x194: {  	[sflag:s6] =	ssyncset.done $0x0  }
0x195: {  	[sflag:s6] =	ssyncadd.s32 $0xFFFFD800  }
0x196: {  	_ =	swait.ge [sflag:s7], $0x2800  }
0x197: {  	[sflag:s7] =	ssyncset.done $0x0  }
0x198: {  	[sflag:s7] =	ssyncadd.s32 $0xFFFFD800  }
0x199: {  	_ =	swait.ge [sflag:s10], $0x2800  }
0x19a: {  	[sflag:s10] =	ssyncset.done $0x0  }
0x19b: {  	s12 =	simm.s32 $0x0;
	[sflag:s10] =	ssyncadd.s32 $0xFFFFD800  }
0x19c: {  	v7 =	vld [tilespmem:s12+$0x16700]  }
0x19d: {  	v11 =	vld [tilespmem:s12+$0x16710]  }
0x19e: {  	v5 =	vld [tilespmem:s12+$0x16720]  }
0x19f: {  	v4 =	vld [tilespmem:s12+$0x16730]  }
0x1a0: {  	v3 =	vld [tilespmem:s12+$0x16740]  }
0x1a1: {  	v2 =	vld [tilespmem:s12+$0x16750]  }
0x1a2: {  	v1 =	vld [tilespmem:s12+$0x16760]  }
0x1a3: {  	v0 =	vld [tilespmem:s12+$0x16770]  }
0x1a4: {  	v12 =	vld [tilespmem:s12+$0x13F00]  }
0x1a5: {  	v13 =	vld [tilespmem:s12+$0x13F10]  }
0x1a6: {  	v10 =	vld [tilespmem:s12+$0x13F20]  }
0x1a7: {  	v9 =	vld [tilespmem:s12+$0x13F30]  }
0x1a8: {  	v8 =	vld [tilespmem:s12+$0x13F40]  }
0x1a9: {  	v6 =	vld [tilespmem:s12+$0x13F50];
	v12 =	vmul.f32 v7, v12  }
0x1aa: {  	s13 =	simm.s32 $0x200;
	v11 =	vmul.f32 v11, v13;
	v7 =	vld [tilespmem:s12+$0x13F60]  }
.LBB2_18:
0x1ab: {  	s14 =	sshra.s32 s13, $0x2;
	p0 =	sne.s32 s13, $0x9E00;
	[tilespmem:s12+$0x13F00] =	vst v12;
	v5 =	vmul.f32 v5, v10;
	v10 =	vld [tilespmem:s12+$0x13F70]  }
0x1ac: {  	v12 =	vld [tilespmem:s14+$0x16700];
	[tilespmem:s12+$0x13F10] =	vst v11;
	v4 =	vmul.f32 v4, v9  }
0x1ad: {  	v11 =	vld [tilespmem:s14+$0x16710];
	[tilespmem:s12+$0x13F20] =	vst v5;
	v3 =	vmul.f32 v3, v8  }
0x1ae: {  	v5 =	vld [tilespmem:s14+$0x16720];
	[tilespmem:s12+$0x13F30] =	vst v4;
	v2 =	vmul.f32 v2, v6  }
0x1af: {  	v4 =	vld [tilespmem:s14+$0x16730];
	[tilespmem:s12+$0x13F40] =	vst v3;
	v1 =	vmul.f32 v1, v7  }
0x1b0: {  	v3 =	vld [tilespmem:s14+$0x16740];
	[tilespmem:s12+$0x13F50] =	vst v2;
	v0 =	vmul.f32 v0, v10  }
0x1b1: {  	v2 =	vld [tilespmem:s14+$0x16750];
	[tilespmem:s12+$0x13F60] =	vst v1  }
0x1b2: {  	v1 =	vld [tilespmem:s14+$0x16760];
	[tilespmem:s12+$0x13F70] =	vst v0;
	s12 =	smov.u32 s14  }
0x1b3: {  	v0 =	vld [tilespmem:s12+$0x16770]  }
0x1b4: {  	v6 =	vld [tilespmem:s12+$0x13F00]  }
0x1b5: {  	v7 =	vld [tilespmem:s12+$0x13F10]  }
.Ltmp8:
0x1b6: {  	v10 =	vld [tilespmem:s12+$0x13F20];
	(pc) =	sbr.rel @p0 .LBB2_18-.Ltmp8, $4  }
0x1b7: {  	v9 =	vld [tilespmem:s12+$0x13F30]  }
0x1b8: {  	v8 =	vld [tilespmem:s12+$0x13F40]  }
0x1b9: {  	v12 =	vmul.f32 v12, v6;
	v6 =	vld [tilespmem:s12+$0x13F50]  }
0x1ba: {  	s13 =	sadd.s32 $0x200, s13;
	v11 =	vmul.f32 v11, v7;
	v7 =	vld [tilespmem:s12+$0x13F60]  }
0x1bb: {  	[tilespmem:s12+$0x13F00] =	vst v12;
	v5 =	vmul.f32 v5, v10;
	v10 =	vld [tilespmem:s12+$0x13F70]  }
0x1bc: {  	[tilespmem:s12+$0x13F10] =	vst v11;
	v4 =	vmul.f32 v4, v9  }
0x1bd: {  	[tilespmem:s12+$0x13F20] =	vst v5;
	v3 =	vmul.f32 v3, v8  }
0x1be: {  	[tilespmem:s12+$0x13F30] =	vst v4;
	v2 =	vmul.f32 v2, v6  }
0x1bf: {  	[tilespmem:s12+$0x13F40] =	vst v3;
	v1 =	vmul.f32 v1, v7  }
0x1c0: {  	[tilespmem:s12+$0x13F50] =	vst v2;
	v0 =	vmul.f32 v0, v10  }
0x1c1: {  	[tilespmem:s12+$0x13F60] =	vst v1  }
0x1c2: {  	s23 =	simm.s32 $0x0;
	s13 =	rddreg [dreg:$0xa];
	[tilespmem:s12+$0x13F70] =	vst v0  }
0x1c3: {  	[hbm4b:s13+s23] =	stream.linear.scatter [tilespmem:s31], [sflag:$0xC], $0x2800, $0x38;
	[tilespmem:$0x18F00] =	vst v63  }
0x1c4: {  	_ =	swait.ge [sflag:s11], $0x2800  }
0x1c5: {  	[sflag:s11] =	ssyncset.done $0x0  }
0x1c6: {  	[sflag:s11] =	ssyncadd.s32 $0xFFFFD800  }
0x1c7: {  	_ =	swait.ge [sflag:s29], $0x2800  }
0x1c8: {  	[sflag:s29] =	ssyncset.done $0x0  }
0x1c9: {  	[sflag:s29] =	ssyncadd.s32 $0xFFFFD800  }
0x1ca: {  	_ =	swait.ge [sflag:s30], $0x2800  }
0x1cb: {  	[sflag:s30] =	ssyncset.done $0x0  }
0x1cc: {  	s12 =	simm.s32 $0x0;
	[sflag:s30] =	ssyncadd.s32 $0xFFFFD800  }
0x1cd: {  	v7 =	vld [tilespmem:s12+$0x7700]  }
0x1ce: {  	v11 =	vld [tilespmem:s12+$0x7710]  }
0x1cf: {  	v5 =	vld [tilespmem:s12+$0x7720]  }
0x1d0: {  	v4 =	vld [tilespmem:s12+$0x7730]  }
0x1d1: {  	v3 =	vld [tilespmem:s12+$0x7740]  }
0x1d2: {  	v2 =	vld [tilespmem:s12+$0x7750]  }
0x1d3: {  	v1 =	vld [tilespmem:s12+$0x7760]  }
0x1d4: {  	v0 =	vld [tilespmem:s12+$0x7770]  }
0x1d5: {  	v12 =	vld [tilespmem:s12+$0x4F00]  }
0x1d6: {  	v13 =	vld [tilespmem:s12+$0x4F10]  }
0x1d7: {  	v10 =	vld [tilespmem:s12+$0x4F20]  }
0x1d8: {  	v9 =	vld [tilespmem:s12+$0x4F30]  }
0x1d9: {  	v8 =	vld [tilespmem:s12+$0x4F40]  }
0x1da: {  	v6 =	vld [tilespmem:s12+$0x4F50];
	v12 =	vmul.f32 v7, v12  }
0x1db: {  	s13 =	simm.s32 $0x200;
	v11 =	vmul.f32 v11, v13;
	v7 =	vld [tilespmem:s12+$0x4F60]  }
.LBB2_20:
0x1dc: {  	s14 =	sshra.s32 s13, $0x2;
	p0 =	sne.s32 s13, $0x9E00;
	[tilespmem:s12+$0x4F00] =	vst v12;
	v5 =	vmul.f32 v5, v10;
	v10 =	vld [tilespmem:s12+$0x4F70]  }
0x1dd: {  	v12 =	vld [tilespmem:s14+$0x7700];
	[tilespmem:s12+$0x4F10] =	vst v11;
	v4 =	vmul.f32 v4, v9  }
0x1de: {  	v11 =	vld [tilespmem:s14+$0x7710];
	[tilespmem:s12+$0x4F20] =	vst v5;
	v3 =	vmul.f32 v3, v8  }
0x1df: {  	v5 =	vld [tilespmem:s14+$0x7720];
	[tilespmem:s12+$0x4F30] =	vst v4;
	v2 =	vmul.f32 v2, v6  }
0x1e0: {  	v4 =	vld [tilespmem:s14+$0x7730];
	[tilespmem:s12+$0x4F40] =	vst v3;
	v1 =	vmul.f32 v1, v7  }
0x1e1: {  	v3 =	vld [tilespmem:s14+$0x7740];
	[tilespmem:s12+$0x4F50] =	vst v2;
	v0 =	vmul.f32 v0, v10  }
0x1e2: {  	v2 =	vld [tilespmem:s14+$0x7750];
	[tilespmem:s12+$0x4F60] =	vst v1  }
0x1e3: {  	v1 =	vld [tilespmem:s14+$0x7760];
	[tilespmem:s12+$0x4F70] =	vst v0;
	s12 =	smov.u32 s14  }
0x1e4: {  	v0 =	vld [tilespmem:s12+$0x7770]  }
0x1e5: {  	v6 =	vld [tilespmem:s12+$0x4F00]  }
0x1e6: {  	v7 =	vld [tilespmem:s12+$0x4F10]  }
.Ltmp9:
0x1e7: {  	v10 =	vld [tilespmem:s12+$0x4F20];
	(pc) =	sbr.rel @p0 .LBB2_20-.Ltmp9, $4  }
0x1e8: {  	v9 =	vld [tilespmem:s12+$0x4F30]  }
0x1e9: {  	v8 =	vld [tilespmem:s12+$0x4F40]  }
0x1ea: {  	v12 =	vmul.f32 v12, v6;
	v6 =	vld [tilespmem:s12+$0x4F50]  }
0x1eb: {  	s13 =	sadd.s32 $0x200, s13;
	v11 =	vmul.f32 v11, v7;
	v7 =	vld [tilespmem:s12+$0x4F60]  }
0x1ec: {  	[tilespmem:s12+$0x4F00] =	vst v12;
	v5 =	vmul.f32 v5, v10;
	v63 =	vld [tilespmem:s12+$0x4F70]  }
0x1ed: {  	[tilespmem:s12+$0x4F10] =	vst v11;
	v4 =	vmul.f32 v4, v9  }
0x1ee: {  	[tilespmem:s12+$0x4F20] =	vst v5;
	v3 =	vmul.f32 v3, v8  }
0x1ef: {  	[tilespmem:s12+$0x4F30] =	vst v4;
	v2 =	vmul.f32 v2, v6  }
0x1f0: {  	[tilespmem:s12+$0x4F40] =	vst v3;
	v1 =	vmul.f32 v1, v7  }
0x1f1: {  	[tilespmem:s12+$0x4F50] =	vst v2;
	v0 =	vmul.f32 v0, v63  }
0x1f2: {  	[tilespmem:s12+$0x4F60] =	vst v1  }
0x1f3: {  	s16 =	rddreg [dreg:$0xb];
	[tilespmem:s12+$0x4F70] =	vst v0  }
0x1f4: {  	[hbm4b:s16+s4] =	stream.linear.scatter [tilespmem:s19], [sflag:$0x9], $0x2800, $0x38;
	[tilespmem:$0x18F00] =	vst v63  }
0x1f5: {  	_ =	swait.ge [sflag:s15], $0x2800  }
0x1f6: {  	[sflag:s15] =	ssyncset.done $0x0  }
0x1f7: {  	[sflag:s15] =	ssyncadd.s32 $0xFFFFD800  }
0x1f8: {  	_ =	swait.ge [sflag:s24], $0x2800  }
0x1f9: {  	s13 =	rddreg [dreg:$0xd]  }
0x1fa: {  	s23 =	rddreg [dreg:$0xc];
	s13 =	sadd.s32 $0x1, s13  }
0x1fb: {  	p0 =	sne.s32 s13, s23  }
.Ltmp10:
0x1fc: {  	_ = 	snop;
	(pc) =	sbr.rel @p0 .LBB2_1-.Ltmp10, $3  }
0x1fd: {  	_ =	sdelay $0x1  }
0x1fe: {  	[sflag:s24] =	ssyncset.done $0x0  }
0x1ff: {  	[sflag:s24] =	ssyncadd.s32 $0xFFFFD800  }
0x200: {  	_ =	sfence.sel $0x180000  }
0x201: {  	[bflag:$0x0] =	sbarrier.arrive $0xFFFF  }
0x202: {  	_ =	strace $0x90000047  }
0x203: {  	s0 =	stileid.u32;
	[bflag:$0x2] =	sbarrier.arrive $0xFFFF  }
0x204: {  	p0 =	sne.s32 s0, $0x0;
	s0 =	rddreg [dreg:$0x4]  }
0x205: {  	s0 =	sadd.s32 @!p0 $0x100000, s0  }
0x206: {  	[sflag:s0] =	ssyncadd.tile.s32 @!p0 $0x1;
	_ =	shalt  }
.Lfunc_end2:
_tile_overlayer_lowered:
.L_overlay_start_2:
0x207: {  	(tag) =	ssettag $0x2  }
0x208: {  	s0 =	rddreg [dreg:$0x0];
	s2 =	stileid.u32  }
0x209: {  	s1 =	rddreg [dreg:$0x1];
	p0 =	sne.s32 s2, $0x0  }
0x20a: {  	s3 =	rddreg [dreg:$0x2];
	[bflag:$0x3] =	sbarrier.arrive $0xFFFF;
	s2 =	simm.s32 @!p0 $0x1C0D  }
0x20b: {  	[timem:s3], [sflag:s2] =	dma.local @!p0 [hbm:s0], s1  }
0x20c: {  	s0 =	simm.s32 @!p0 $0xD  }
0x20d: {  	_ =	swait.ge @!p0 [sflag:s0], s1  }
0x20e: {  	s1 =	ssub.s32 @!p0 $0x0, s1;
	[sflag:s0] =	ssyncset.done @!p0 $0x0  }
0x20f: {  	[sflag:s0] =	ssyncadd.s32 @!p0 s1  }
0x210: {  	[bflag:$0x3] =	sbarrier.arrive $0xFFFF  }
0x211: {  	_ =	shalt  }

</sc_bundles>
